<compile_context>
chip_gen: v7x
topology: tpu7x:2x2x1
jax: 0.10.2.dev20260603
libtpu: 0.0.44.dev20260713+nightly
codegen_flags: <defaults>
</compile_context>

<pallas_src>
import functools

import jax
import jax.numpy as jnp
from jax import lax
from jax.experimental import pallas as pl
from jax.experimental.pallas import tpu as pltpu
from jax.experimental.pallas import tpu_sc as plsc

G = 64
RATIO_K = 0.5
TN = 128
NC = 2
NS = 16
NW = NC * NS



def _k1_body(tpb, x_ref, sw1_ref, sw2_ref, sb1_ref, xs1_ref, xsw2_ref):
    i = pl.program_id(0)
    xb = x_ref[...]
    dn = (((0,), (1,)), ((), ()))
    c1 = lax.dot_general(sw1_ref[...], xb, dn,
                         preferred_element_type=jnp.float32) + sb1_ref[0]
    c2 = lax.dot_general(sw2_ref[...], xb, dn,
                         preferred_element_type=jnp.float32)
    rows = pl.ds(i * tpb, tpb)
    xs1_ref[rows, :] = c1.reshape(tpb, TN)
    xsw2_ref[rows, :] = c2.reshape(tpb, TN)


def _k2_body(be, eaT_ref, dw1_ref, dw2_ref, db1_ref, db2_ref, w1_ref, w2_ref):
    i = pl.program_id(0)
    blk = eaT_ref[...]
    w1 = jnp.sum(blk * dw1_ref[...], axis=0) + db1_ref[0]
    w2 = jnp.sum(blk * dw2_ref[...], axis=0) + db2_ref[0]
    sl = pl.ds(i * be, be)
    w1_ref[sl] = w1
    w2_ref[sl] = w2



def _sc_edge_body(epw, npad, ei_hbm, w_hbm, a_hbm, b_hbm,
                  agg_out, cnt_out, ei_v, w_v, a_v, b_v, agg_v, cnt_v):
    wid = lax.axis_index("s") * NC + lax.axis_index("c")
    base = wid * epw
    pltpu.sync_copy(ei_hbm.at[:, pl.ds(base, epw)], ei_v)
    pltpu.sync_copy(w_hbm.at[pl.ds(base, epw)], w_v)
    pltpu.sync_copy(a_hbm, a_v)
    pltpu.sync_copy(b_hbm, b_v)

    zeros = jnp.zeros((16,), jnp.float32)

    def zbody(i, carry):
        agg_v[pl.ds(i * 16, 16)] = zeros
        cnt_v[pl.ds(i * 16, 16)] = zeros
        return carry

    lax.fori_loop(0, npad // 16, zbody, 0, unroll=4)

    def body(i, carry):
        sl = pl.ds(i * 16, 16)
        e0s = ei_v[0, sl]
        e1s = ei_v[1, sl]
        ws = w_v[sl]
        av = plsc.load_gather(a_v, [e0s])
        bv = plsc.load_gather(b_v, [e0s])
        plsc.addupdate_scatter(agg_v, [e1s], av * ws)
        plsc.addupdate_scatter(cnt_v, [e1s], bv)
        return carry

    lax.fori_loop(0, epw // 16, body, 0, unroll=4)

    pltpu.sync_copy(agg_v, agg_out.at[wid])
    pltpu.sync_copy(cnt_v, cnt_out.at[wid])


def _make_sc_edge(epw, npad):
    mesh = plsc.VectorSubcoreMesh(core_axis_name="c", subcore_axis_name="s",
                                  num_cores=NC, num_subcores=NS)
    return pl.kernel(
        functools.partial(_sc_edge_body, epw, npad),
        out_type=[jax.ShapeDtypeStruct((NW, npad), jnp.float32),
                  jax.ShapeDtypeStruct((NW, npad), jnp.float32)],
        mesh=mesh,
        compiler_params=pltpu.CompilerParams(needs_layout_passes=False),
        scratch_types=[pltpu.VMEM((2, epw), jnp.int32),
                       pltpu.VMEM((epw,), jnp.float32),
                       pltpu.VMEM((npad,), jnp.float32),
                       pltpu.VMEM((npad,), jnp.float32),
                       pltpu.VMEM((npad,), jnp.float32),
                       pltpu.VMEM((npad,), jnp.float32)],
    )



def _r_body(nb,
            pagg_ref, pcnt_ref, sec_ref, alive_ref, batchf_ref, xsw2_ref,
            nal_ref, sb2_ref, lo_ref, hi_ref,
            s_ref, sel_ref, an_ref, bn_ref, cg_ref,
            colS, colSec, colCode, rowS):
    def p0(i, carry):
        row = pl.ds(i, 1)
        agg = jnp.sum(pagg_ref[:, row, :], axis=0)
        cnt = jnp.sum(pcnt_ref[:, row, :], axis=0)
        s_row = agg / jnp.maximum(cnt, 1.0)
        s_ref[row, :] = s_row
        rowS[row, :] = s_row
        sl = pl.ds(i * TN, TN)
        colS[sl, :] = s_row.reshape(TN, 1)
        colSec[sl, :] = sec_ref[row, :].reshape(TN, 1)
        code = jnp.where(alive_ref[row, :] > 0.0, batchf_ref[row, :], -1.0)
        colCode[sl, :] = code.reshape(TN, 1)
        return carry

    lax.fori_loop(0, nb, p0, 0)

    kcol = jnp.ceil(RATIO_K * nal_ref[...])
    gio = lax.broadcasted_iota(jnp.int32, (G, 1), 0).astype(jnp.float32)
    iot_row = lax.broadcasted_iota(jnp.int32, (1, TN), 1).astype(jnp.float32)
    iot_col = lax.broadcasted_iota(jnp.int32, (TN, 1), 0).astype(jnp.float32)

    def p1(i, cg):
        row = pl.ds(i, 1)
        s_row = rowS[row, :]
        sec_row = sec_ref[row, :]
        b_row = batchf_ref[row, :]
        gp = (i * TN).astype(jnp.float32) + iot_row

        def body(j, rank):
            sl = pl.ds(j * TN, TN)
            sqc = colS[sl, :]
            secqc = colSec[sl, :]
            codeqc = colCode[sl, :]
            gq = (j * TN).astype(jnp.float32) + iot_col
            same = codeqc == b_row
            ahead = ((sqc > s_row)
                     | ((sqc == s_row)
                        & ((secqc > sec_row)
                           | ((secqc == sec_row) & (gq < gp)))))
            hit = jnp.where(same & ahead, 1.0, 0.0)
            return rank + jnp.sum(hit, axis=0, keepdims=True)

        rank = lax.fori_loop(lo_ref[i], hi_ref[i] + 1, body,
                             jnp.zeros((1, TN), jnp.float32))

        ohm = gio == b_row
        kp = jnp.sum(jnp.where(ohm, kcol, 0.0), axis=0, keepdims=True)
        selr = jnp.where((alive_ref[row, :] > 0.0) & (rank < kp), 1.0, 0.0)
        sel_ref[row, :] = selr
        t1 = jnp.tanh(s_row)
        an_ref[row, :] = selr * (t1 * xsw2_ref[row, :] + sb2_ref[0])
        bn_ref[row, :] = selr
        return cg + jnp.sum(jnp.where(ohm, selr, 0.0), axis=1, keepdims=True)

    cg = lax.fori_loop(0, nb, p1, jnp.zeros((G, 1), jnp.float32))
    cg_ref[...] = cg


def _make_r(nb, npad):
    vspec = pl.BlockSpec(memory_space=pltpu.VMEM)
    sspec = pl.BlockSpec(memory_space=pltpu.SMEM)
    return pl.pallas_call(
        functools.partial(_r_body, nb),
        in_specs=[vspec, vspec, vspec, vspec, vspec, vspec, vspec,
                  sspec, sspec, sspec],
        out_specs=[vspec, vspec, vspec, vspec, vspec],
        out_shape=[
            jax.ShapeDtypeStruct((nb, TN), jnp.float32),
            jax.ShapeDtypeStruct((nb, TN), jnp.float32),
            jax.ShapeDtypeStruct((nb, TN), jnp.float32),
            jax.ShapeDtypeStruct((nb, TN), jnp.float32),
            jax.ShapeDtypeStruct((G, 1), jnp.float32),
        ],
        scratch_shapes=[
            pltpu.VMEM((nb * TN, 1), jnp.float32),
            pltpu.VMEM((nb * TN, 1), jnp.float32),
            pltpu.VMEM((nb * TN, 1), jnp.float32),
            pltpu.VMEM((nb, TN), jnp.float32),
        ],
    )



def _f_body(nblk, tpb, x_ref, batchf_ref, s1_ref, s2_ref, sel1_ref, sel2_ref,
            cnt0_ref, c1_ref, c2_ref, out_ref, acc):
    i = pl.program_id(0)

    @pl.when(i == 0)
    def _init():
        acc[...] = jnp.zeros_like(acc)

    ic0 = 1.0 / jnp.maximum(cnt0_ref[...], 1.0)
    ic1 = 1.0 / jnp.maximum(c1_ref[...], 1.0)
    ic2 = 1.0 / jnp.maximum(c2_ref[...], 1.0)
    gio = lax.broadcasted_iota(jnp.int32, (G, 1), 0).astype(jnp.float32)

    a = acc[...]
    for sub in range(tpb):
        row = pl.ds(i * tpb + sub, 1)
        t1 = jnp.tanh(s1_ref[row, :])
        t2 = jnp.tanh(s2_ref[row, :])
        ohm = gio == batchf_ref[row, :]
        w1r = sel1_ref[row, :] * t1
        w2r = sel2_ref[row, :] * t1 * t2
        A = jnp.where(ohm, ic0 + w1r * ic1 + w2r * ic2, 0.0)
        a = a + jnp.dot(A, x_ref[pl.ds(sub * TN, TN), :],
                        preferred_element_type=jnp.float32)
    acc[...] = a

    @pl.when(i == nblk - 1)
    def _fin():
        out_ref[...] = acc[...]


def _make_f(nblk, tpb, d):
    vspec = pl.BlockSpec(memory_space=pltpu.VMEM)
    gcol = pl.BlockSpec((G, 1), lambda i: (0, 0))
    return pl.pallas_call(
        functools.partial(_f_body, nblk, tpb),
        grid=(nblk,),
        in_specs=[pl.BlockSpec((tpb * TN, d), lambda i: (i, 0)),
                  vspec, vspec, vspec, vspec, vspec,
                  gcol, gcol, gcol],
        out_specs=pl.BlockSpec((G, d), lambda i: (0, 0)),
        out_shape=jax.ShapeDtypeStruct((G, d), jnp.float32),
        scratch_shapes=[pltpu.VMEM((G, d), jnp.float32)],
    )



def kernel(x, edge_index, edge_attr, batch, score_w1, score_b1, dist_w1,
           dist_b1, score_w2, score_b2, dist_w2, dist_b2):
    N, D = x.shape
    E = edge_attr.shape[0]
    DE = edge_attr.shape[1]

    nb = -(-N // (TN * 8)) * 8
    npad = nb * TN
    tpb = nb // 8
    for be in (16000, 12800, 6400, 5120, 2560):
        if E % be == 0:
            break
    ek = -(-E // be) * be
    ep = -(-E // (NW * TN)) * (NW * TN)
    ep = max(ep, ek)
    epw = ep // NW

    xp = jnp.pad(x, ((0, npad - N), (0, 0)))
    batch_p = jnp.pad(batch.astype(jnp.int32), (0, npad - N),
                      constant_values=G - 1)
    batchf = batch_p.astype(jnp.float32).reshape(nb, TN)
    ei = edge_index.astype(jnp.int32)
    eaT = edge_attr.T
    if ep != E:
        pad1 = jnp.full((1, ep - E), 0, jnp.int32)
        pad2 = jnp.full((1, ep - E), npad - 1, jnp.int32)
        ei = jnp.concatenate(
            [ei, jnp.concatenate([pad1, pad2], axis=0)], axis=1)
    if ek != E:
        eaT = jnp.pad(eaT, ((0, 0), (0, ek - E)))

    k1 = pl.pallas_call(
        functools.partial(_k1_body, tpb), grid=(8,),
        in_specs=[pl.BlockSpec((tpb * TN, D), lambda i: (i, 0)),
                  pl.BlockSpec((D, 1), lambda i: (0, 0)),
                  pl.BlockSpec((D, 1), lambda i: (0, 0)),
                  pl.BlockSpec(memory_space=pltpu.SMEM)],
        out_specs=[pl.BlockSpec(memory_space=pltpu.VMEM),
                   pl.BlockSpec(memory_space=pltpu.VMEM)],
        out_shape=[jax.ShapeDtypeStruct((nb, TN), jnp.float32),
                   jax.ShapeDtypeStruct((nb, TN), jnp.float32)],
    )
    xs1_r, xsw2_r = k1(xp, score_w1, score_w2, score_b1)

    eb_n = ek // be
    k2 = pl.pallas_call(
        functools.partial(_k2_body, be), grid=(eb_n,),
        in_specs=[pl.BlockSpec((DE, be), lambda i: (0, i)),
                  pl.BlockSpec((DE, 1), lambda i: (0, 0)),
                  pl.BlockSpec((DE, 1), lambda i: (0, 0)),
                  pl.BlockSpec(memory_space=pltpu.SMEM),
                  pl.BlockSpec(memory_space=pltpu.SMEM)],
        out_specs=[pl.BlockSpec(memory_space=pltpu.VMEM),
                   pl.BlockSpec(memory_space=pltpu.VMEM)],
        out_shape=[jax.ShapeDtypeStruct((ek,), jnp.float32),
                   jax.ShapeDtypeStruct((ek,), jnp.float32)],
    )
    w1, w2 = k2(eaT, dist_w1, dist_w2, dist_b1, dist_b2)
    if ep > ek:
        w1 = jnp.pad(w1, (0, ep - ek))
        w2 = jnp.pad(w2, (0, ep - ek))

    gidx = jnp.arange(G, dtype=batch_p.dtype)
    starts = jnp.searchsorted(batch_p[:N], gidx, side="left").astype(jnp.int32)
    ends = jnp.searchsorted(batch_p[:N], gidx, side="right").astype(jnp.int32)
    counts = (ends - starts).astype(jnp.float32).reshape(G, 1)
    tile0 = jnp.arange(nb, dtype=jnp.int32) * TN
    first_node = jnp.minimum(tile0, N - 1)
    last_node = jnp.minimum(tile0 + TN - 1, N - 1)
    g_first = batch_p[first_node]
    g_last = batch_p[last_node]
    lo = starts[g_first] // TN
    hi = jnp.maximum(ends[g_last] - 1, 0) // TN

    sc_edge = _make_sc_edge(epw, npad)
    r_call = _make_r(nb, npad)

    a1 = xs1_r.reshape(npad)
    b1 = jnp.ones((npad,), jnp.float32)
    agg1, cnt1 = sc_edge(ei, w1, a1, b1)
    alive1 = (jnp.arange(npad, dtype=jnp.int32) < N).astype(
        jnp.float32).reshape(nb, TN)
    zeros_row = jnp.zeros((nb, TN), jnp.float32)
    s1, sel1, a2r, b2r, c1 = r_call(
        agg1.reshape(NW, nb, TN), cnt1.reshape(NW, nb, TN),
        zeros_row, alive1, batchf, xsw2_r, counts, score_b2, lo, hi)

    agg2, cnt2 = sc_edge(ei, w2, a2r.reshape(npad), b2r.reshape(npad))
    s2, sel2, _, _, c2 = r_call(
        agg2.reshape(NW, nb, TN), cnt2.reshape(NW, nb, TN),
        s1, sel1, batchf, xsw2_r, c1, score_b2, lo, hi)

    f_call = _make_f(8, tpb, D)
    out = f_call(xp, batchf, s1, s2, sel1, sel2, counts, c1, c2)
    return out

# --- scband reference (transcript-rebuilt; emitter-appended) ---
"""Pipeline reference for scband-equivariant-binary-classification-sagpool-scalar-39513699123761 (READ-ONLY COPY).

The authoritative reference and input builder live on the scoring server;
editing this copy changes nothing except your own understanding.
"""

import math
import jax, jax.numpy as jnp
import numpy as np

NUM_GRAPHS = 64
RATIO = 0.5

def seg_mean(data, seg, num_segments):
    s = jax.ops.segment_sum(data, seg, num_segments=num_segments)
    c = jax.ops.segment_sum(jnp.ones((data.shape[0],), data.dtype), seg, num_segments=num_segments)
    return s / jnp.clip(c, 1.0)[:, None]

def seg_mean_masked(data, seg, alive, num_segments):
    s = jax.ops.segment_sum(data, seg, num_segments=num_segments)
    ones = jnp.where(alive, jnp.ones((data.shape[0],), data.dtype), jnp.zeros((), data.dtype))
    c = jax.ops.segment_sum(ones, seg, num_segments=num_segments)
    return s / jnp.clip(c, 1.0)[:, None]

def compute_score(x, edge_attr, e0, e1, evalid, dw, db, sw, sb, num_nodes):
    W = edge_attr @ dw + db
    xs = x @ sw + sb
    msg = jnp.where(evalid[:, None], xs[e0] * W, jnp.zeros((), x.dtype))
    agg = jax.ops.segment_sum(msg, e1, num_segments=num_nodes)
    cnt = jax.ops.segment_sum(jnp.where(evalid[:, None], jnp.ones_like(msg), jnp.zeros((), msg.dtype)), e1, num_segments=num_nodes)
    return (agg / jnp.clip(cnt, 1.0))[:, 0]

def topk_perm(score, ratio, batch, num_graphs, alive, iota):
    dead = (~alive).astype(jnp.int32)
    neg = -score
    _, _, _, order = jax.lax.sort((batch, dead, neg, iota), num_keys=3, is_stable=True)
    counts = jax.ops.segment_sum(jnp.ones_like(batch), batch, num_segments=num_graphs)
    start = jnp.cumsum(counts) - counts
    b_s = batch[order]
    rank = iota - start[b_s]
    n_alive = jax.ops.segment_sum(alive.astype(batch.dtype), batch, num_segments=num_graphs)
    k = jnp.ceil(ratio * n_alive.astype(score.dtype)).astype(batch.dtype)
    sel_s = alive[order] & (rank < k[b_s])
    return order, sel_s

def filter_adj(e0, e1, evalid, order, sel_s, iota, num_nodes):
    pos = jnp.zeros((num_nodes,), iota.dtype).at[order].set(iota)
    sel = jnp.zeros((num_nodes,), dtype=bool).at[order].set(sel_s)
    evalid = evalid & sel[e0] & sel[e1]
    return pos[e0], pos[e1], evalid

def setup_inputs(seed: int = 0):
    key = jax.random.key(seed)
    ks = [jax.random.fold_in(key, i) for i in range(12)]
    N, E, D, DE = 10000, 320000, 128, 16
    x = jax.random.normal(ks[0], (N, D), dtype=jnp.float32)
    edge_index = jax.random.randint(ks[1], (2, E), 0, N)
    edge_attr = jax.random.normal(ks[2], (E, DE), dtype=jnp.float32)
    batch = jnp.sort(jax.random.randint(ks[3], (N,), 0, NUM_GRAPHS))
    def lin(k, fan_in, shape):
        return jax.random.normal(k, shape, dtype=jnp.float32) / np.sqrt(fan_in)
    return {
        'x': x, 'edge_index': edge_index, 'edge_attr': edge_attr, 'batch': batch,
        'score_w1': lin(ks[4], D, (D, 1)), 'score_b1': jnp.zeros((1,), jnp.float32),
        'dist_w1': lin(ks[5], DE, (DE, 1)), 'dist_b1': jnp.zeros((1,), jnp.float32),
        'score_w2': lin(ks[6], D, (D, 1)), 'score_b2': jnp.zeros((1,), jnp.float32),
        'dist_w2': lin(ks[7], DE, (DE, 1)), 'dist_b2': jnp.zeros((1,), jnp.float32),
    }

def reference(x, edge_index, edge_attr, batch, score_w1, score_b1, dist_w1, dist_b1, score_w2, score_b2, dist_w2, dist_b2):
    # reduce(): out = scatter_mean(x, batch); two SAGPool layers each add scatter_mean of pooled x
    out = seg_mean(x, batch, NUM_GRAPHS)
    N = x.shape[0]
    iota = jnp.arange(N, dtype=batch.dtype)
    alive = jnp.ones((N,), dtype=bool)
    e0 = edge_index[0]
    e1 = edge_index[1]
    evalid = jnp.ones((e0.shape[0],), dtype=bool)
    for (sw, sb, dw, db) in ((score_w1, score_b1, dist_w1, dist_b1), (score_w2, score_b2, dist_w2, dist_b2)):
        score = compute_score(x, edge_attr, e0, e1, evalid, dw, db, sw, sb, N)
        order, sel_s = topk_perm(score, RATIO, batch, NUM_GRAPHS, alive, iota)
        x = jnp.where(sel_s[:, None], x[order] * jnp.tanh(score[order])[:, None], jnp.zeros((), x.dtype))
        batch = batch[order]
        e0, e1, evalid = filter_adj(e0, e1, evalid, order, sel_s, iota, N)
        alive = sel_s
        out = out + seg_mean_masked(x, batch, alive, NUM_GRAPHS)
    return out

if __name__ == "__main__":
    import jax
    _d = setup_inputs()
    print(jax.jit(kernel)(*tuple(_d.values())))

</pallas_src>

<mosaic_0001>
#map = affine_map<(d0, d1) -> (0, 0)>
#map1 = affine_map<(d0, d1) -> (0)>
module attributes {stable_mosaic.version = 14 : i64} {
  func.func @_sc_edge_body(%arg0: i32, %arg1: i32, %arg2: memref<2x323584xi32, #tpu.memory_space<hbm>>, %arg3: memref<323584xf32, #tpu.memory_space<hbm>>, %arg4: memref<10240xf32, #tpu.memory_space<hbm>>, %arg5: memref<10240xf32, #tpu.memory_space<hbm>>, %arg6: memref<32x10240xf32, #tpu.memory_space<hbm>>, %arg7: memref<32x10240xf32, #tpu.memory_space<hbm>>, %arg8: memref<2x10112xi32, #tpu.memory_space<vmem>>, %arg9: memref<10112xf32, #tpu.memory_space<vmem>>, %arg10: memref<10240xf32, #tpu.memory_space<vmem>>, %arg11: memref<10240xf32, #tpu.memory_space<vmem>>, %arg12: memref<10240xf32, #tpu.memory_space<vmem>>, %arg13: memref<10240xf32, #tpu.memory_space<vmem>>) attributes {dimension_semantics = [#tpu.dimension_semantics<core_parallel>, #tpu.dimension_semantics<subcore_parallel>], iteration_bounds = array<i64: 2, 16>, scalar_prefetch = 0 : i64, scratch_operands = 6 : i64, tpu.core_type = #tpu.core_type<sc_vector_subcore>, window_params = [{transform_indices = #map}, {transform_indices = #map1}, {transform_indices = #map1}, {transform_indices = #map1}, {transform_indices = #map}, {transform_indices = #map}]} {
    %mul3A = arith.constant 2 : i32
    %mul3A_0 = arith.muli %arg1, %mul3A : i32
    %add3A = arith.addi %mul3A_0, %arg0 : i32
    %mul3A_1 = arith.constant 10112 : i32
    %mul3A_2 = arith.muli %add3A, %mul3A_1 : i32
    "tpu.region"() ({
      %run_scoped3A = tpu.sem_alloc : memref<!tpu.dma_semaphore, #tpu.memory_space<semaphore_mem>>
      %dma_start3A = arith.constant 0 : i32
      %dma_start3A_15 = tpu.memref_slice %arg2[%dma_start3A, %mul3A_2] : memref<2x323584xi32, #tpu.memory_space<hbm>> -> memref<2x10112xi32, #tpu.memory_space<hbm>>
      %dma_start3A_16 = arith.constant 0 : i32
      %dma_start3A_17 = tpu.memref_slice %arg2[%dma_start3A_16, %mul3A_2] : memref<2x323584xi32, #tpu.memory_space<hbm>> -> memref<2x10112xi32, #tpu.memory_space<hbm>>
      tpu.enqueue_dma source(%dma_start3A_17 : memref<2x10112xi32, #tpu.memory_space<hbm>>) target(%arg8 : memref<2x10112xi32, #tpu.memory_space<vmem>>) target_semaphore(%run_scoped3A : memref<!tpu.dma_semaphore, #tpu.memory_space<semaphore_mem>>)
      %dma_wait3A = arith.constant 0 : i32
      %dma_wait3A_18 = tpu.memref_slice %arg2[%dma_wait3A, %mul3A_2] : memref<2x323584xi32, #tpu.memory_space<hbm>> -> memref<2x10112xi32, #tpu.memory_space<hbm>>
      %dma_wait3A_19 = arith.constant 0 : i32
      %dma_wait3A_20 = tpu.memref_slice %arg2[%dma_wait3A_19, %mul3A_2] : memref<2x323584xi32, #tpu.memory_space<hbm>> -> memref<2x10112xi32, #tpu.memory_space<hbm>>
      tpu.wait_dma2 semaphore(%run_scoped3A : memref<!tpu.dma_semaphore, #tpu.memory_space<semaphore_mem>>) src(%dma_wait3A_20 : memref<2x10112xi32, #tpu.memory_space<hbm>>) dst(%arg8 : memref<2x10112xi32, #tpu.memory_space<vmem>>)
      tpu.yield
    }) : () -> ()
    "tpu.region"() ({
      %run_scoped3A = tpu.sem_alloc : memref<!tpu.dma_semaphore, #tpu.memory_space<semaphore_mem>>
      %dma_start3A = tpu.memref_slice %arg3[%mul3A_2] : memref<323584xf32, #tpu.memory_space<hbm>> -> memref<10112xf32, #tpu.memory_space<hbm>>
      %dma_start3A_15 = tpu.memref_slice %arg3[%mul3A_2] : memref<323584xf32, #tpu.memory_space<hbm>> -> memref<10112xf32, #tpu.memory_space<hbm>>
      tpu.enqueue_dma source(%dma_start3A_15 : memref<10112xf32, #tpu.memory_space<hbm>>) target(%arg9 : memref<10112xf32, #tpu.memory_space<vmem>>) target_semaphore(%run_scoped3A : memref<!tpu.dma_semaphore, #tpu.memory_space<semaphore_mem>>)
      %dma_wait3A = tpu.memref_slice %arg3[%mul3A_2] : memref<323584xf32, #tpu.memory_space<hbm>> -> memref<10112xf32, #tpu.memory_space<hbm>>
      %dma_wait3A_16 = tpu.memref_slice %arg3[%mul3A_2] : memref<323584xf32, #tpu.memory_space<hbm>> -> memref<10112xf32, #tpu.memory_space<hbm>>
      tpu.wait_dma2 semaphore(%run_scoped3A : memref<!tpu.dma_semaphore, #tpu.memory_space<semaphore_mem>>) src(%dma_wait3A_16 : memref<10112xf32, #tpu.memory_space<hbm>>) dst(%arg9 : memref<10112xf32, #tpu.memory_space<vmem>>)
      tpu.yield
    }) : () -> ()
    "tpu.region"() ({
      %run_scoped3A = tpu.sem_alloc : memref<!tpu.dma_semaphore, #tpu.memory_space<semaphore_mem>>
      tpu.enqueue_dma source(%arg4 : memref<10240xf32, #tpu.memory_space<hbm>>) target(%arg10 : memref<10240xf32, #tpu.memory_space<vmem>>) target_semaphore(%run_scoped3A : memref<!tpu.dma_semaphore, #tpu.memory_space<semaphore_mem>>)
      tpu.wait_dma2 semaphore(%run_scoped3A : memref<!tpu.dma_semaphore, #tpu.memory_space<semaphore_mem>>) src(%arg4 : memref<10240xf32, #tpu.memory_space<hbm>>) dst(%arg10 : memref<10240xf32, #tpu.memory_space<vmem>>)
      tpu.yield
    }) : () -> ()
    "tpu.region"() ({
      %run_scoped3A = tpu.sem_alloc : memref<!tpu.dma_semaphore, #tpu.memory_space<semaphore_mem>>
      tpu.enqueue_dma source(%arg5 : memref<10240xf32, #tpu.memory_space<hbm>>) target(%arg11 : memref<10240xf32, #tpu.memory_space<vmem>>) target_semaphore(%run_scoped3A : memref<!tpu.dma_semaphore, #tpu.memory_space<semaphore_mem>>)
      tpu.wait_dma2 semaphore(%run_scoped3A : memref<!tpu.dma_semaphore, #tpu.memory_space<semaphore_mem>>) src(%arg5 : memref<10240xf32, #tpu.memory_space<hbm>>) dst(%arg11 : memref<10240xf32, #tpu.memory_space<vmem>>)
      tpu.yield
    }) : () -> ()
    %broadcast_in_dim3A = arith.constant 0.000000e+00 : f32
    %broadcast_in_dim3A_3 = vector.broadcast %broadcast_in_dim3A : f32 to vector<16xf32>
    %scan3A = arith.constant 0 : i32
    %scan3A_4 = arith.constant 0 : i32
    %scan3A_5 = arith.constant 640 : i32
    %scan3A_6 = arith.addi %scan3A_4, %scan3A_5 : i32
    %scan3A_7 = arith.constant 4 : i32
    scf.for %scan3A_15 = %scan3A_4 to %scan3A_6 step %scan3A_7  : i32 {
      %mul3A_16 = arith.constant 16 : i32
      %mul3A_17 = arith.muli %scan3A_15, %mul3A_16 : i32
      %swap3A = arith.index_cast %mul3A_17 : i32 to index
      %swap3A_18 = tpu.vector_load %arg12[%swap3A] {strides = array<i32>} : memref<10240xf32, #tpu.memory_space<vmem>>, vector<16xf32>,
      tpu.vector_store %arg12[%swap3A], %broadcast_in_dim3A_3 {strides = array<i32>} : memref<10240xf32, #tpu.memory_space<vmem>>, vector<16xf32>,
      %mul3A_19 = arith.constant 16 : i32
      %mul3A_20 = arith.muli %scan3A_15, %mul3A_19 : i32
      %swap3A_21 = arith.index_cast %mul3A_20 : i32 to index
      %swap3A_22 = tpu.vector_load %arg13[%swap3A_21] {strides = array<i32>} : memref<10240xf32, #tpu.memory_space<vmem>>, vector<16xf32>,
      tpu.vector_store %arg13[%swap3A_21], %broadcast_in_dim3A_3 {strides = array<i32>} : memref<10240xf32, #tpu.memory_space<vmem>>, vector<16xf32>,
      %scan3A_23 = arith.constant 1 : i32
      %scan3A_24 = arith.addi %scan3A_15, %scan3A_23 : i32
      %mul3A_25 = arith.constant 16 : i32
      %mul3A_26 = arith.muli %scan3A_24, %mul3A_25 : i32
      %swap3A_27 = arith.index_cast %mul3A_26 : i32 to index
      %swap3A_28 = tpu.vector_load %arg12[%swap3A_27] {strides = array<i32>} : memref<10240xf32, #tpu.memory_space<vmem>>, vector<16xf32>,
      tpu.vector_store %arg12[%swap3A_27], %broadcast_in_dim3A_3 {strides = array<i32>} : memref<10240xf32, #tpu.memory_space<vmem>>, vector<16xf32>,
      %mul3A_29 = arith.constant 16 : i32
      %mul3A_30 = arith.muli %scan3A_24, %mul3A_29 : i32
      %swap3A_31 = arith.index_cast %mul3A_30 : i32 to index
      %swap3A_32 = tpu.vector_load %arg13[%swap3A_31] {strides = array<i32>} : memref<10240xf32, #tpu.memory_space<vmem>>, vector<16xf32>,
      tpu.vector_store %arg13[%swap3A_31], %broadcast_in_dim3A_3 {strides = array<i32>} : memref<10240xf32, #tpu.memory_space<vmem>>, vector<16xf32>,
      %scan3A_33 = arith.constant 2 : i32
      %scan3A_34 = arith.addi %scan3A_15, %scan3A_33 : i32
      %mul3A_35 = arith.constant 16 : i32
      %mul3A_36 = arith.muli %scan3A_34, %mul3A_35 : i32
      %swap3A_37 = arith.index_cast %mul3A_36 : i32 to index
      %swap3A_38 = tpu.vector_load %arg12[%swap3A_37] {strides = array<i32>} : memref<10240xf32, #tpu.memory_space<vmem>>, vector<16xf32>,
      tpu.vector_store %arg12[%swap3A_37], %broadcast_in_dim3A_3 {strides = array<i32>} : memref<10240xf32, #tpu.memory_space<vmem>>, vector<16xf32>,
      %mul3A_39 = arith.constant 16 : i32
      %mul3A_40 = arith.muli %scan3A_34, %mul3A_39 : i32
      %swap3A_41 = arith.index_cast %mul3A_40 : i32 to index
      %swap3A_42 = tpu.vector_load %arg13[%swap3A_41] {strides = array<i32>} : memref<10240xf32, #tpu.memory_space<vmem>>, vector<16xf32>,
      tpu.vector_store %arg13[%swap3A_41], %broadcast_in_dim3A_3 {strides = array<i32>} : memref<10240xf32, #tpu.memory_space<vmem>>, vector<16xf32>,
      %scan3A_43 = arith.constant 3 : i32
      %scan3A_44 = arith.addi %scan3A_15, %scan3A_43 : i32
      %mul3A_45 = arith.constant 16 : i32
      %mul3A_46 = arith.muli %scan3A_44, %mul3A_45 : i32
      %swap3A_47 = arith.index_cast %mul3A_46 : i32 to index
      %swap3A_48 = tpu.vector_load %arg12[%swap3A_47] {strides = array<i32>} : memref<10240xf32, #tpu.memory_space<vmem>>, vector<16xf32>,
      tpu.vector_store %arg12[%swap3A_47], %broadcast_in_dim3A_3 {strides = array<i32>} : memref<10240xf32, #tpu.memory_space<vmem>>, vector<16xf32>,
      %mul3A_49 = arith.constant 16 : i32
      %mul3A_50 = arith.muli %scan3A_44, %mul3A_49 : i32
      %swap3A_51 = arith.index_cast %mul3A_50 : i32 to index
      %swap3A_52 = tpu.vector_load %arg13[%swap3A_51] {strides = array<i32>} : memref<10240xf32, #tpu.memory_space<vmem>>, vector<16xf32>,
      tpu.vector_store %arg13[%swap3A_51], %broadcast_in_dim3A_3 {strides = array<i32>} : memref<10240xf32, #tpu.memory_space<vmem>>, vector<16xf32>,
    }
    %scan3A_8 = arith.constant 640 : i32
    %scan3A_9 = arith.constant 0 : i32
    %scan3A_10 = arith.constant 0 : i32
    %scan3A_11 = arith.constant 632 : i32
    %scan3A_12 = arith.addi %scan3A_10, %scan3A_11 : i32
    %scan3A_13 = arith.constant 4 : i32
    scf.for %scan3A_15 = %scan3A_10 to %scan3A_12 step %scan3A_13  : i32 {
      %mul3A_16 = arith.constant 16 : i32
      %mul3A_17 = arith.muli %scan3A_15, %mul3A_16 : i32
      %get3A = arith.constant 0 : i32
      %get3A_18 = arith.index_cast %get3A : i32 to index
      %get3A_19 = arith.index_cast %mul3A_17 : i32 to index
      %get3A_20 = tpu.vector_load %arg8[%get3A_18, %get3A_19] {strides = array<i32>} : memref<2x10112xi32, #tpu.memory_space<vmem>>, vector<16xi32>,
      %get3A_21 = arith.constant 1 : i32
      %get3A_22 = arith.index_cast %get3A_21 : i32 to index
      %get3A_23 = arith.index_cast %mul3A_17 : i32 to index
      %get3A_24 = tpu.vector_load %arg8[%get3A_22, %get3A_23] {strides = array<i32>} : memref<2x10112xi32, #tpu.memory_space<vmem>>, vector<16xi32>,
      %get3A_25 = arith.index_cast %mul3A_17 : i32 to index
      %get3A_26 = tpu.vector_load %arg9[%get3A_25] {strides = array<i32>} : memref<10112xf32, #tpu.memory_space<vmem>>, vector<16xf32>,
      %gather3A = tpu.vector_load_idx %arg10[%get3A_20] : memref<10240xf32, #tpu.memory_space<vmem>>[vector<16xi32>], vector<16xf32>,
      %gather3A_27 = tpu.vector_load_idx %arg11[%get3A_20] : memref<10240xf32, #tpu.memory_space<vmem>>[vector<16xi32>], vector<16xf32>,
      %mul3A_28 = arith.mulf %gather3A, %get3A_26 : vector<16xf32>
      tpu.vector_store_idx %arg12[%get3A_24], %mul3A_28 {add = true} : memref<10240xf32, #tpu.memory_space<vmem>>[vector<16xi32>], vector<16xf32>,
      tpu.vector_store_idx %arg13[%get3A_24], %gather3A_27 {add = true} : memref<10240xf32, #tpu.memory_space<vmem>>[vector<16xi32>], vector<16xf32>,
      %scan3A_29 = arith.constant 1 : i32
      %scan3A_30 = arith.addi %scan3A_15, %scan3A_29 : i32
      %mul3A_31 = arith.constant 16 : i32
      %mul3A_32 = arith.muli %scan3A_30, %mul3A_31 : i32
      %get3A_33 = arith.constant 0 : i32
      %get3A_34 = arith.index_cast %get3A_33 : i32 to index
      %get3A_35 = arith.index_cast %mul3A_32 : i32 to index
      %get3A_36 = tpu.vector_load %arg8[%get3A_34, %get3A_35] {strides = array<i32>} : memref<2x10112xi32, #tpu.memory_space<vmem>>, vector<16xi32>,
      %get3A_37 = arith.constant 1 : i32
      %get3A_38 = arith.index_cast %get3A_37 : i32 to index
      %get3A_39 = arith.index_cast %mul3A_32 : i32 to index
      %get3A_40 = tpu.vector_load %arg8[%get3A_38, %get3A_39] {strides = array<i32>} : memref<2x10112xi32, #tpu.memory_space<vmem>>, vector<16xi32>,
      %get3A_41 = arith.index_cast %mul3A_32 : i32 to index
      %get3A_42 = tpu.vector_load %arg9[%get3A_41] {strides = array<i32>} : memref<10112xf32, #tpu.memory_space<vmem>>, vector<16xf32>,
      %gather3A_43 = tpu.vector_load_idx %arg10[%get3A_36] : memref<10240xf32, #tpu.memory_space<vmem>>[vector<16xi32>], vector<16xf32>,
      %gather3A_44 = tpu.vector_load_idx %arg11[%get3A_36] : memref<10240xf32, #tpu.memory_space<vmem>>[vector<16xi32>], vector<16xf32>,
      %mul3A_45 = arith.mulf %gather3A_43, %get3A_42 : vector<16xf32>
      tpu.vector_store_idx %arg12[%get3A_40], %mul3A_45 {add = true} : memref<10240xf32, #tpu.memory_space<vmem>>[vector<16xi32>], vector<16xf32>,
      tpu.vector_store_idx %arg13[%get3A_40], %gather3A_44 {add = true} : memref<10240xf32, #tpu.memory_space<vmem>>[vector<16xi32>], vector<16xf32>,
      %scan3A_46 = arith.constant 2 : i32
      %scan3A_47 = arith.addi %scan3A_15, %scan3A_46 : i32
      %mul3A_48 = arith.constant 16 : i32
      %mul3A_49 = arith.muli %scan3A_47, %mul3A_48 : i32
      %get3A_50 = arith.constant 0 : i32
      %get3A_51 = arith.index_cast %get3A_50 : i32 to index
      %get3A_52 = arith.index_cast %mul3A_49 : i32 to index
      %get3A_53 = tpu.vector_load %arg8[%get3A_51, %get3A_52] {strides = array<i32>} : memref<2x10112xi32, #tpu.memory_space<vmem>>, vector<16xi32>,
      %get3A_54 = arith.constant 1 : i32
      %get3A_55 = arith.index_cast %get3A_54 : i32 to index
      %get3A_56 = arith.index_cast %mul3A_49 : i32 to index
      %get3A_57 = tpu.vector_load %arg8[%get3A_55, %get3A_56] {strides = array<i32>} : memref<2x10112xi32, #tpu.memory_space<vmem>>, vector<16xi32>,
      %get3A_58 = arith.index_cast %mul3A_49 : i32 to index
      %get3A_59 = tpu.vector_load %arg9[%get3A_58] {strides = array<i32>} : memref<10112xf32, #tpu.memory_space<vmem>>, vector<16xf32>,
      %gather3A_60 = tpu.vector_load_idx %arg10[%get3A_53] : memref<10240xf32, #tpu.memory_space<vmem>>[vector<16xi32>], vector<16xf32>,
      %gather3A_61 = tpu.vector_load_idx %arg11[%get3A_53] : memref<10240xf32, #tpu.memory_space<vmem>>[vector<16xi32>], vector<16xf32>,
      %mul3A_62 = arith.mulf %gather3A_60, %get3A_59 : vector<16xf32>
      tpu.vector_store_idx %arg12[%get3A_57], %mul3A_62 {add = true} : memref<10240xf32, #tpu.memory_space<vmem>>[vector<16xi32>], vector<16xf32>,
      tpu.vector_store_idx %arg13[%get3A_57], %gather3A_61 {add = true} : memref<10240xf32, #tpu.memory_space<vmem>>[vector<16xi32>], vector<16xf32>,
      %scan3A_63 = arith.constant 3 : i32
      %scan3A_64 = arith.addi %scan3A_15, %scan3A_63 : i32
      %mul3A_65 = arith.constant 16 : i32
      %mul3A_66 = arith.muli %scan3A_64, %mul3A_65 : i32
      %get3A_67 = arith.constant 0 : i32
      %get3A_68 = arith.index_cast %get3A_67 : i32 to index
      %get3A_69 = arith.index_cast %mul3A_66 : i32 to index
      %get3A_70 = tpu.vector_load %arg8[%get3A_68, %get3A_69] {strides = array<i32>} : memref<2x10112xi32, #tpu.memory_space<vmem>>, vector<16xi32>,
      %get3A_71 = arith.constant 1 : i32
      %get3A_72 = arith.index_cast %get3A_71 : i32 to index
      %get3A_73 = arith.index_cast %mul3A_66 : i32 to index
      %get3A_74 = tpu.vector_load %arg8[%get3A_72, %get3A_73] {strides = array<i32>} : memref<2x10112xi32, #tpu.memory_space<vmem>>, vector<16xi32>,
      %get3A_75 = arith.index_cast %mul3A_66 : i32 to index
      %get3A_76 = tpu.vector_load %arg9[%get3A_75] {strides = array<i32>} : memref<10112xf32, #tpu.memory_space<vmem>>, vector<16xf32>,
      %gather3A_77 = tpu.vector_load_idx %arg10[%get3A_70] : memref<10240xf32, #tpu.memory_space<vmem>>[vector<16xi32>], vector<16xf32>,
      %gather3A_78 = tpu.vector_load_idx %arg11[%get3A_70] : memref<10240xf32, #tpu.memory_space<vmem>>[vector<16xi32>], vector<16xf32>,
      %mul3A_79 = arith.mulf %gather3A_77, %get3A_76 : vector<16xf32>
      tpu.vector_store_idx %arg12[%get3A_74], %mul3A_79 {add = true} : memref<10240xf32, #tpu.memory_space<vmem>>[vector<16xi32>], vector<16xf32>,
      tpu.vector_store_idx %arg13[%get3A_74], %gather3A_78 {add = true} : memref<10240xf32, #tpu.memory_space<vmem>>[vector<16xi32>], vector<16xf32>,
    }
    %scan3A_14 = arith.constant 632 : i32
    "tpu.region"() ({
      %run_scoped3A = tpu.sem_alloc : memref<!tpu.dma_semaphore, #tpu.memory_space<semaphore_mem>>
      %dma_start3A = arith.constant 0 : i32
      %dma_start3A_15 = tpu.memref_slice %arg6[%add3A, %dma_start3A] : memref<32x10240xf32, #tpu.memory_space<hbm>> -> memref<1x10240xf32, #tpu.memory_space<hbm>>
      %dma_start3A_16 = tpu.memref_squeeze %dma_start3A_15 : memref<1x10240xf32, #tpu.memory_space<hbm>> -> memref<10240xf32, #tpu.memory_space<hbm>>
      %dma_start3A_17 = arith.constant 0 : i32
      %dma_start3A_18 = tpu.memref_slice %arg6[%add3A, %dma_start3A_17] : memref<32x10240xf32, #tpu.memory_space<hbm>> -> memref<1x10240xf32, #tpu.memory_space<hbm>>
      %dma_start3A_19 = tpu.memref_squeeze %dma_start3A_18 : memref<1x10240xf32, #tpu.memory_space<hbm>> -> memref<10240xf32, #tpu.memory_space<hbm>>
      tpu.enqueue_dma source(%arg12 : memref<10240xf32, #tpu.memory_space<vmem>>) target(%dma_start3A_19 : memref<10240xf32, #tpu.memory_space<hbm>>) target_semaphore(%run_scoped3A : memref<!tpu.dma_semaphore, #tpu.memory_space<semaphore_mem>>)
      %dma_wait3A = arith.constant 0 : i32
      %dma_wait3A_20 = tpu.memref_slice %arg6[%add3A, %dma_wait3A] : memref<32x10240xf32, #tpu.memory_space<hbm>> -> memref<1x10240xf32, #tpu.memory_space<hbm>>
      %dma_wait3A_21 = tpu.memref_squeeze %dma_wait3A_20 : memref<1x10240xf32, #tpu.memory_space<hbm>> -> memref<10240xf32, #tpu.memory_space<hbm>>
      %dma_wait3A_22 = arith.constant 0 : i32
      %dma_wait3A_23 = tpu.memref_slice %arg6[%add3A, %dma_wait3A_22] : memref<32x10240xf32, #tpu.memory_space<hbm>> -> memref<1x10240xf32, #tpu.memory_space<hbm>>
      %dma_wait3A_24 = tpu.memref_squeeze %dma_wait3A_23 : memref<1x10240xf32, #tpu.memory_space<hbm>> -> memref<10240xf32, #tpu.memory_space<hbm>>
      tpu.wait_dma2 semaphore(%run_scoped3A : memref<!tpu.dma_semaphore, #tpu.memory_space<semaphore_mem>>) src(%arg12 : memref<10240xf32, #tpu.memory_space<vmem>>) dst(%dma_wait3A_24 : memref<10240xf32, #tpu.memory_space<hbm>>)
      tpu.yield
    }) : () -> ()
    "tpu.region"() ({
      %run_scoped3A = tpu.sem_alloc : memref<!tpu.dma_semaphore, #tpu.memory_space<semaphore_mem>>
      %dma_start3A = arith.constant 0 : i32
      %dma_start3A_15 = tpu.memref_slice %arg7[%add3A, %dma_start3A] : memref<32x10240xf32, #tpu.memory_space<hbm>> -> memref<1x10240xf32, #tpu.memory_space<hbm>>
      %dma_start3A_16 = tpu.memref_squeeze %dma_start3A_15 : memref<1x10240xf32, #tpu.memory_space<hbm>> -> memref<10240xf32, #tpu.memory_space<hbm>>
      %dma_start3A_17 = arith.constant 0 : i32
      %dma_start3A_18 = tpu.memref_slice %arg7[%add3A, %dma_start3A_17] : memref<32x10240xf32, #tpu.memory_space<hbm>> -> memref<1x10240xf32, #tpu.memory_space<hbm>>
      %dma_start3A_19 = tpu.memref_squeeze %dma_start3A_18 : memref<1x10240xf32, #tpu.memory_space<hbm>> -> memref<10240xf32, #tpu.memory_space<hbm>>
      tpu.enqueue_dma source(%arg13 : memref<10240xf32, #tpu.memory_space<vmem>>) target(%dma_start3A_19 : memref<10240xf32, #tpu.memory_space<hbm>>) target_semaphore(%run_scoped3A : memref<!tpu.dma_semaphore, #tpu.memory_space<semaphore_mem>>)
      %dma_wait3A = arith.constant 0 : i32
      %dma_wait3A_20 = tpu.memref_slice %arg7[%add3A, %dma_wait3A] : memref<32x10240xf32, #tpu.memory_space<hbm>> -> memref<1x10240xf32, #tpu.memory_space<hbm>>
      %dma_wait3A_21 = tpu.memref_squeeze %dma_wait3A_20 : memref<1x10240xf32, #tpu.memory_space<hbm>> -> memref<10240xf32, #tpu.memory_space<hbm>>
      %dma_wait3A_22 = arith.constant 0 : i32
      %dma_wait3A_23 = tpu.memref_slice %arg7[%add3A, %dma_wait3A_22] : memref<32x10240xf32, #tpu.memory_space<hbm>> -> memref<1x10240xf32, #tpu.memory_space<hbm>>
      %dma_wait3A_24 = tpu.memref_squeeze %dma_wait3A_23 : memref<1x10240xf32, #tpu.memory_space<hbm>> -> memref<10240xf32, #tpu.memory_space<hbm>>
      tpu.wait_dma2 semaphore(%run_scoped3A : memref<!tpu.dma_semaphore, #tpu.memory_space<semaphore_mem>>) src(%arg13 : memref<10240xf32, #tpu.memory_space<vmem>>) dst(%dma_wait3A_24 : memref<10240xf32, #tpu.memory_space<hbm>>)
      tpu.yield
    }) : () -> ()
    return
  }
}

#map = affine_map<(d0, d1) -> (0, 0)>
#map1 = affine_map<(d0, d1) -> (0)>
module attributes {stable_mosaic.version = 14 : i64} {
  func.func @_sc_edge_body(%arg0: i32, %arg1: i32, %arg2: memref<2x323584xi32, #tpu.memory_space<hbm>>, %arg3: memref<323584xf32, #tpu.memory_space<hbm>>, %arg4: memref<10240xf32, #tpu.memory_space<hbm>>, %arg5: memref<10240xf32, #tpu.memory_space<hbm>>, %arg6: memref<32x10240xf32, #tpu.memory_space<hbm>>, %arg7: memref<32x10240xf32, #tpu.memory_space<hbm>>, %arg8: memref<2x10112xi32, #tpu.memory_space<vmem>>, %arg9: memref<10112xf32, #tpu.memory_space<vmem>>, %arg10: memref<10240xf32, #tpu.memory_space<vmem>>, %arg11: memref<10240xf32, #tpu.memory_space<vmem>>, %arg12: memref<10240xf32, #tpu.memory_space<vmem>>, %arg13: memref<10240xf32, #tpu.memory_space<vmem>>) attributes {dimension_semantics = [#tpu.dimension_semantics<core_parallel>, #tpu.dimension_semantics<subcore_parallel>], iteration_bounds = array<i64: 2, 16>, scalar_prefetch = 0 : i64, scratch_operands = 6 : i64, tpu.core_type = #tpu.core_type<sc_vector_subcore>, window_params = [{transform_indices = #map}, {transform_indices = #map1}, {transform_indices = #map1}, {transform_indices = #map1}, {transform_indices = #map}, {transform_indices = #map}]} {
    %mul3A = arith.constant 2 : i32
    %mul3A_0 = arith.muli %arg1, %mul3A : i32
    %add3A = arith.addi %mul3A_0, %arg0 : i32
    %mul3A_1 = arith.constant 10112 : i32
    %mul3A_2 = arith.muli %add3A, %mul3A_1 : i32
    "tpu.region"() ({
      %run_scoped3A = tpu.sem_alloc : memref<!tpu.dma_semaphore, #tpu.memory_space<semaphore_mem>>
      %dma_start3A = arith.constant 0 : i32
      %dma_start3A_15 = tpu.memref_slice %arg2[%dma_start3A, %mul3A_2] : memref<2x323584xi32, #tpu.memory_space<hbm>> -> memref<2x10112xi32, #tpu.memory_space<hbm>>
      %dma_start3A_16 = arith.constant 0 : i32
      %dma_start3A_17 = tpu.memref_slice %arg2[%dma_start3A_16, %mul3A_2] : memref<2x323584xi32, #tpu.memory_space<hbm>> -> memref<2x10112xi32, #tpu.memory_space<hbm>>
      tpu.enqueue_dma source(%dma_start3A_17 : memref<2x10112xi32, #tpu.memory_space<hbm>>) target(%arg8 : memref<2x10112xi32, #tpu.memory_space<vmem>>) target_semaphore(%run_scoped3A : memref<!tpu.dma_semaphore, #tpu.memory_space<semaphore_mem>>)
      %dma_wait3A = arith.constant 0 : i32
      %dma_wait3A_18 = tpu.memref_slice %arg2[%dma_wait3A, %mul3A_2] : memref<2x323584xi32, #tpu.memory_space<hbm>> -> memref<2x10112xi32, #tpu.memory_space<hbm>>
      %dma_wait3A_19 = arith.constant 0 : i32
      %dma_wait3A_20 = tpu.memref_slice %arg2[%dma_wait3A_19, %mul3A_2] : memref<2x323584xi32, #tpu.memory_space<hbm>> -> memref<2x10112xi32, #tpu.memory_space<hbm>>
      tpu.wait_dma2 semaphore(%run_scoped3A : memref<!tpu.dma_semaphore, #tpu.memory_space<semaphore_mem>>) src(%dma_wait3A_20 : memref<2x10112xi32, #tpu.memory_space<hbm>>) dst(%arg8 : memref<2x10112xi32, #tpu.memory_space<vmem>>)
      tpu.yield
    }) : () -> ()
    "tpu.region"() ({
      %run_scoped3A = tpu.sem_alloc : memref<!tpu.dma_semaphore, #tpu.memory_space<semaphore_mem>>
      %dma_start3A = tpu.memref_slice %arg3[%mul3A_2] : memref<323584xf32, #tpu.memory_space<hbm>> -> memref<10112xf32, #tpu.memory_space<hbm>>
      %dma_start3A_15 = tpu.memref_slice %arg3[%mul3A_2] : memref<323584xf32, #tpu.memory_space<hbm>> -> memref<10112xf32, #tpu.memory_space<hbm>>
      tpu.enqueue_dma source(%dma_start3A_15 : memref<10112xf32, #tpu.memory_space<hbm>>) target(%arg9 : memref<10112xf32, #tpu.memory_space<vmem>>) target_semaphore(%run_scoped3A : memref<!tpu.dma_semaphore, #tpu.memory_space<semaphore_mem>>)
      %dma_wait3A = tpu.memref_slice %arg3[%mul3A_2] : memref<323584xf32, #tpu.memory_space<hbm>> -> memref<10112xf32, #tpu.memory_space<hbm>>
      %dma_wait3A_16 = tpu.memref_slice %arg3[%mul3A_2] : memref<323584xf32, #tpu.memory_space<hbm>> -> memref<10112xf32, #tpu.memory_space<hbm>>
      tpu.wait_dma2 semaphore(%run_scoped3A : memref<!tpu.dma_semaphore, #tpu.memory_space<semaphore_mem>>) src(%dma_wait3A_16 : memref<10112xf32, #tpu.memory_space<hbm>>) dst(%arg9 : memref<10112xf32, #tpu.memory_space<vmem>>)
      tpu.yield
    }) : () -> ()
    "tpu.region"() ({
      %run_scoped3A = tpu.sem_alloc : memref<!tpu.dma_semaphore, #tpu.memory_space<semaphore_mem>>
      tpu.enqueue_dma source(%arg4 : memref<10240xf32, #tpu.memory_space<hbm>>) target(%arg10 : memref<10240xf32, #tpu.memory_space<vmem>>) target_semaphore(%run_scoped3A : memref<!tpu.dma_semaphore, #tpu.memory_space<semaphore_mem>>)
      tpu.wait_dma2 semaphore(%run_scoped3A : memref<!tpu.dma_semaphore, #tpu.memory_space<semaphore_mem>>) src(%arg4 : memref<10240xf32, #tpu.memory_space<hbm>>) dst(%arg10 : memref<10240xf32, #tpu.memory_space<vmem>>)
      tpu.yield
    }) : () -> ()
    "tpu.region"() ({
      %run_scoped3A = tpu.sem_alloc : memref<!tpu.dma_semaphore, #tpu.memory_space<semaphore_mem>>
      tpu.enqueue_dma source(%arg5 : memref<10240xf32, #tpu.memory_space<hbm>>) target(%arg11 : memref<10240xf32, #tpu.memory_space<vmem>>) target_semaphore(%run_scoped3A : memref<!tpu.dma_semaphore, #tpu.memory_space<semaphore_mem>>)
      tpu.wait_dma2 semaphore(%run_scoped3A : memref<!tpu.dma_semaphore, #tpu.memory_space<semaphore_mem>>) src(%arg5 : memref<10240xf32, #tpu.memory_space<hbm>>) dst(%arg11 : memref<10240xf32, #tpu.memory_space<vmem>>)
      tpu.yield
    }) : () -> ()
    %broadcast_in_dim3A = arith.constant 0.000000e+00 : f32
    %broadcast_in_dim3A_3 = vector.broadcast %broadcast_in_dim3A : f32 to vector<16xf32>
    %scan3A = arith.constant 0 : i32
    %scan3A_4 = arith.constant 0 : i32
    %scan3A_5 = arith.constant 640 : i32
    %scan3A_6 = arith.addi %scan3A_4, %scan3A_5 : i32
    %scan3A_7 = arith.constant 4 : i32
    scf.for %scan3A_15 = %scan3A_4 to %scan3A_6 step %scan3A_7  : i32 {
      %mul3A_16 = arith.constant 16 : i32
      %mul3A_17 = arith.muli %scan3A_15, %mul3A_16 : i32
      %swap3A = arith.index_cast %mul3A_17 : i32 to index
      %swap3A_18 = tpu.vector_load %arg12[%swap3A] {strides = array<i32>} : memref<10240xf32, #tpu.memory_space<vmem>>, vector<16xf32>,
      tpu.vector_store %arg12[%swap3A], %broadcast_in_dim3A_3 {strides = array<i32>} : memref<10240xf32, #tpu.memory_space<vmem>>, vector<16xf32>,
      %mul3A_19 = arith.constant 16 : i32
      %mul3A_20 = arith.muli %scan3A_15, %mul3A_19 : i32
      %swap3A_21 = arith.index_cast %mul3A_20 : i32 to index
      %swap3A_22 = tpu.vector_load %arg13[%swap3A_21] {strides = array<i32>} : memref<10240xf32, #tpu.memory_space<vmem>>, vector<16xf32>,
      tpu.vector_store %arg13[%swap3A_21], %broadcast_in_dim3A_3 {strides = array<i32>} : memref<10240xf32, #tpu.memory_space<vmem>>, vector<16xf32>,
      %scan3A_23 = arith.constant 1 : i32
      %scan3A_24 = arith.addi %scan3A_15, %scan3A_23 : i32
      %mul3A_25 = arith.constant 16 : i32
      %mul3A_26 = arith.muli %scan3A_24, %mul3A_25 : i32
      %swap3A_27 = arith.index_cast %mul3A_26 : i32 to index
      %swap3A_28 = tpu.vector_load %arg12[%swap3A_27] {strides = array<i32>} : memref<10240xf32, #tpu.memory_space<vmem>>, vector<16xf32>,
      tpu.vector_store %arg12[%swap3A_27], %broadcast_in_dim3A_3 {strides = array<i32>} : memref<10240xf32, #tpu.memory_space<vmem>>, vector<16xf32>,
      %mul3A_29 = arith.constant 16 : i32
      %mul3A_30 = arith.muli %scan3A_24, %mul3A_29 : i32
      %swap3A_31 = arith.index_cast %mul3A_30 : i32 to index
      %swap3A_32 = tpu.vector_load %arg13[%swap3A_31] {strides = array<i32>} : memref<10240xf32, #tpu.memory_space<vmem>>, vector<16xf32>,
      tpu.vector_store %arg13[%swap3A_31], %broadcast_in_dim3A_3 {strides = array<i32>} : memref<10240xf32, #tpu.memory_space<vmem>>, vector<16xf32>,
      %scan3A_33 = arith.constant 2 : i32
      %scan3A_34 = arith.addi %scan3A_15, %scan3A_33 : i32
      %mul3A_35 = arith.constant 16 : i32
      %mul3A_36 = arith.muli %scan3A_34, %mul3A_35 : i32
      %swap3A_37 = arith.index_cast %mul3A_36 : i32 to index
      %swap3A_38 = tpu.vector_load %arg12[%swap3A_37] {strides = array<i32>} : memref<10240xf32, #tpu.memory_space<vmem>>, vector<16xf32>,
      tpu.vector_store %arg12[%swap3A_37], %broadcast_in_dim3A_3 {strides = array<i32>} : memref<10240xf32, #tpu.memory_space<vmem>>, vector<16xf32>,
      %mul3A_39 = arith.constant 16 : i32
      %mul3A_40 = arith.muli %scan3A_34, %mul3A_39 : i32
      %swap3A_41 = arith.index_cast %mul3A_40 : i32 to index
      %swap3A_42 = tpu.vector_load %arg13[%swap3A_41] {strides = array<i32>} : memref<10240xf32, #tpu.memory_space<vmem>>, vector<16xf32>,
      tpu.vector_store %arg13[%swap3A_41], %broadcast_in_dim3A_3 {strides = array<i32>} : memref<10240xf32, #tpu.memory_space<vmem>>, vector<16xf32>,
      %scan3A_43 = arith.constant 3 : i32
      %scan3A_44 = arith.addi %scan3A_15, %scan3A_43 : i32
      %mul3A_45 = arith.constant 16 : i32
      %mul3A_46 = arith.muli %scan3A_44, %mul3A_45 : i32
      %swap3A_47 = arith.index_cast %mul3A_46 : i32 to index
      %swap3A_48 = tpu.vector_load %arg12[%swap3A_47] {strides = array<i32>} : memref<10240xf32, #tpu.memory_space<vmem>>, vector<16xf32>,
      tpu.vector_store %arg12[%swap3A_47], %broadcast_in_dim3A_3 {strides = array<i32>} : memref<10240xf32, #tpu.memory_space<vmem>>, vector<16xf32>,
      %mul3A_49 = arith.constant 16 : i32
      %mul3A_50 = arith.muli %scan3A_44, %mul3A_49 : i32
      %swap3A_51 = arith.index_cast %mul3A_50 : i32 to index
      %swap3A_52 = tpu.vector_load %arg13[%swap3A_51] {strides = array<i32>} : memref<10240xf32, #tpu.memory_space<vmem>>, vector<16xf32>,
      tpu.vector_store %arg13[%swap3A_51], %broadcast_in_dim3A_3 {strides = array<i32>} : memref<10240xf32, #tpu.memory_space<vmem>>, vector<16xf32>,
    }
    %scan3A_8 = arith.constant 640 : i32
    %scan3A_9 = arith.constant 0 : i32
    %scan3A_10 = arith.constant 0 : i32
    %scan3A_11 = arith.constant 632 : i32
    %scan3A_12 = arith.addi %scan3A_10, %scan3A_11 : i32
    %scan3A_13 = arith.constant 4 : i32
    scf.for %scan3A_15 = %scan3A_10 to %scan3A_12 step %scan3A_13  : i32 {
      %mul3A_16 = arith.constant 16 : i32
      %mul3A_17 = arith.muli %scan3A_15, %mul3A_16 : i32
      %get3A = arith.constant 0 : i32
      %get3A_18 = arith.index_cast %get3A : i32 to index
      %get3A_19 = arith.index_cast %mul3A_17 : i32 to index
      %get3A_20 = tpu.vector_load %arg8[%get3A_18, %get3A_19] {strides = array<i32>} : memref<2x10112xi32, #tpu.memory_space<vmem>>, vector<16xi32>,
      %get3A_21 = arith.constant 1 : i32
      %get3A_22 = arith.index_cast %get3A_21 : i32 to index
      %get3A_23 = arith.index_cast %mul3A_17 : i32 to index
      %get3A_24 = tpu.vector_load %arg8[%get3A_22, %get3A_23] {strides = array<i32>} : memref<2x10112xi32, #tpu.memory_space<vmem>>, vector<16xi32>,
      %get3A_25 = arith.index_cast %mul3A_17 : i32 to index
      %get3A_26 = tpu.vector_load %arg9[%get3A_25] {strides = array<i32>} : memref<10112xf32, #tpu.memory_space<vmem>>, vector<16xf32>,
      %gather3A = tpu.vector_load_idx %arg10[%get3A_20] : memref<10240xf32, #tpu.memory_space<vmem>>[vector<16xi32>], vector<16xf32>,
      %gather3A_27 = tpu.vector_load_idx %arg11[%get3A_20] : memref<10240xf32, #tpu.memory_space<vmem>>[vector<16xi32>], vector<16xf32>,
      %mul3A_28 = arith.mulf %gather3A, %get3A_26 : vector<16xf32>
      tpu.vector_store_idx %arg12[%get3A_24], %mul3A_28 {add = true} : memref<10240xf32, #tpu.memory_space<vmem>>[vector<16xi32>], vector<16xf32>,
      tpu.vector_store_idx %arg13[%get3A_24], %gather3A_27 {add = true} : memref<10240xf32, #tpu.memory_space<vmem>>[vector<16xi32>], vector<16xf32>,
      %scan3A_29 = arith.constant 1 : i32
      %scan3A_30 = arith.addi %scan3A_15, %scan3A_29 : i32
      %mul3A_31 = arith.constant 16 : i32
      %mul3A_32 = arith.muli %scan3A_30, %mul3A_31 : i32
      %get3A_33 = arith.constant 0 : i32
      %get3A_34 = arith.index_cast %get3A_33 : i32 to index
      %get3A_35 = arith.index_cast %mul3A_32 : i32 to index
      %get3A_36 = tpu.vector_load %arg8[%get3A_34, %get3A_35] {strides = array<i32>} : memref<2x10112xi32, #tpu.memory_space<vmem>>, vector<16xi32>,
      %get3A_37 = arith.constant 1 : i32
      %get3A_38 = arith.index_cast %get3A_37 : i32 to index
      %get3A_39 = arith.index_cast %mul3A_32 : i32 to index
      %get3A_40 = tpu.vector_load %arg8[%get3A_38, %get3A_39] {strides = array<i32>} : memref<2x10112xi32, #tpu.memory_space<vmem>>, vector<16xi32>,
      %get3A_41 = arith.index_cast %mul3A_32 : i32 to index
      %get3A_42 = tpu.vector_load %arg9[%get3A_41] {strides = array<i32>} : memref<10112xf32, #tpu.memory_space<vmem>>, vector<16xf32>,
      %gather3A_43 = tpu.vector_load_idx %arg10[%get3A_36] : memref<10240xf32, #tpu.memory_space<vmem>>[vector<16xi32>], vector<16xf32>,
      %gather3A_44 = tpu.vector_load_idx %arg11[%get3A_36] : memref<10240xf32, #tpu.memory_space<vmem>>[vector<16xi32>], vector<16xf32>,
      %mul3A_45 = arith.mulf %gather3A_43, %get3A_42 : vector<16xf32>
      tpu.vector_store_idx %arg12[%get3A_40], %mul3A_45 {add = true} : memref<10240xf32, #tpu.memory_space<vmem>>[vector<16xi32>], vector<16xf32>,
      tpu.vector_store_idx %arg13[%get3A_40], %gather3A_44 {add = true} : memref<10240xf32, #tpu.memory_space<vmem>>[vector<16xi32>], vector<16xf32>,
      %scan3A_46 = arith.constant 2 : i32
      %scan3A_47 = arith.addi %scan3A_15, %scan3A_46 : i32
      %mul3A_48 = arith.constant 16 : i32
      %mul3A_49 = arith.muli %scan3A_47, %mul3A_48 : i32
      %get3A_50 = arith.constant 0 : i32
      %get3A_51 = arith.index_cast %get3A_50 : i32 to index
      %get3A_52 = arith.index_cast %mul3A_49 : i32 to index
      %get3A_53 = tpu.vector_load %arg8[%get3A_51, %get3A_52] {strides = array<i32>} : memref<2x10112xi32, #tpu.memory_space<vmem>>, vector<16xi32>,
      %get3A_54 = arith.constant 1 : i32
      %get3A_55 = arith.index_cast %get3A_54 : i32 to index
      %get3A_56 = arith.index_cast %mul3A_49 : i32 to index
      %get3A_57 = tpu.vector_load %arg8[%get3A_55, %get3A_56] {strides = array<i32>} : memref<2x10112xi32, #tpu.memory_space<vmem>>, vector<16xi32>,
      %get3A_58 = arith.index_cast %mul3A_49 : i32 to index
      %get3A_59 = tpu.vector_load %arg9[%get3A_58] {strides = array<i32>} : memref<10112xf32, #tpu.memory_space<vmem>>, vector<16xf32>,
      %gather3A_60 = tpu.vector_load_idx %arg10[%get3A_53] : memref<10240xf32, #tpu.memory_space<vmem>>[vector<16xi32>], vector<16xf32>,
      %gather3A_61 = tpu.vector_load_idx %arg11[%get3A_53] : memref<10240xf32, #tpu.memory_space<vmem>>[vector<16xi32>], vector<16xf32>,
      %mul3A_62 = arith.mulf %gather3A_60, %get3A_59 : vector<16xf32>
      tpu.vector_store_idx %arg12[%get3A_57], %mul3A_62 {add = true} : memref<10240xf32, #tpu.memory_space<vmem>>[vector<16xi32>], vector<16xf32>,
      tpu.vector_store_idx %arg13[%get3A_57], %gather3A_61 {add = true} : memref<10240xf32, #tpu.memory_space<vmem>>[vector<16xi32>], vector<16xf32>,
      %scan3A_63 = arith.constant 3 : i32
      %scan3A_64 = arith.addi %scan3A_15, %scan3A_63 : i32
      %mul3A_65 = arith.constant 16 : i32
      %mul3A_66 = arith.muli %scan3A_64, %mul3A_65 : i32
      %get3A_67 = arith.constant 0 : i32
      %get3A_68 = arith.index_cast %get3A_67 : i32 to index
      %get3A_69 = arith.index_cast %mul3A_66 : i32 to index
      %get3A_70 = tpu.vector_load %arg8[%get3A_68, %get3A_69] {strides = array<i32>} : memref<2x10112xi32, #tpu.memory_space<vmem>>, vector<16xi32>,
      %get3A_71 = arith.constant 1 : i32
      %get3A_72 = arith.index_cast %get3A_71 : i32 to index
      %get3A_73 = arith.index_cast %mul3A_66 : i32 to index
      %get3A_74 = tpu.vector_load %arg8[%get3A_72, %get3A_73] {strides = array<i32>} : memref<2x10112xi32, #tpu.memory_space<vmem>>, vector<16xi32>,
      %get3A_75 = arith.index_cast %mul3A_66 : i32 to index
      %get3A_76 = tpu.vector_load %arg9[%get3A_75] {strides = array<i32>} : memref<10112xf32, #tpu.memory_space<vmem>>, vector<16xf32>,
      %gather3A_77 = tpu.vector_load_idx %arg10[%get3A_70] : memref<10240xf32, #tpu.memory_space<vmem>>[vector<16xi32>], vector<16xf32>,
      %gather3A_78 = tpu.vector_load_idx %arg11[%get3A_70] : memref<10240xf32, #tpu.memory_space<vmem>>[vector<16xi32>], vector<16xf32>,
      %mul3A_79 = arith.mulf %gather3A_77, %get3A_76 : vector<16xf32>
      tpu.vector_store_idx %arg12[%get3A_74], %mul3A_79 {add = true} : memref<10240xf32, #tpu.memory_space<vmem>>[vector<16xi32>], vector<16xf32>,
      tpu.vector_store_idx %arg13[%get3A_74], %gather3A_78 {add = true} : memref<10240xf32, #tpu.memory_space<vmem>>[vector<16xi32>], vector<16xf32>,
    }
    %scan3A_14 = arith.constant 632 : i32
    "tpu.region"() ({
      %run_scoped3A = tpu.sem_alloc : memref<!tpu.dma_semaphore, #tpu.memory_space<semaphore_mem>>
      %dma_start3A = arith.constant 0 : i32
      %dma_start3A_15 = tpu.memref_slice %arg6[%add3A, %dma_start3A] : memref<32x10240xf32, #tpu.memory_space<hbm>> -> memref<1x10240xf32, #tpu.memory_space<hbm>>
      %dma_start3A_16 = tpu.memref_squeeze %dma_start3A_15 : memref<1x10240xf32, #tpu.memory_space<hbm>> -> memref<10240xf32, #tpu.memory_space<hbm>>
      %dma_start3A_17 = arith.constant 0 : i32
      %dma_start3A_18 = tpu.memref_slice %arg6[%add3A, %dma_start3A_17] : memref<32x10240xf32, #tpu.memory_space<hbm>> -> memref<1x10240xf32, #tpu.memory_space<hbm>>
      %dma_start3A_19 = tpu.memref_squeeze %dma_start3A_18 : memref<1x10240xf32, #tpu.memory_space<hbm>> -> memref<10240xf32, #tpu.memory_space<hbm>>
      tpu.enqueue_dma source(%arg12 : memref<10240xf32, #tpu.memory_space<vmem>>) target(%dma_start3A_19 : memref<10240xf32, #tpu.memory_space<hbm>>) target_semaphore(%run_scoped3A : memref<!tpu.dma_semaphore, #tpu.memory_space<semaphore_mem>>)
      %dma_wait3A = arith.constant 0 : i32
      %dma_wait3A_20 = tpu.memref_slice %arg6[%add3A, %dma_wait3A] : memref<32x10240xf32, #tpu.memory_space<hbm>> -> memref<1x10240xf32, #tpu.memory_space<hbm>>
      %dma_wait3A_21 = tpu.memref_squeeze %dma_wait3A_20 : memref<1x10240xf32, #tpu.memory_space<hbm>> -> memref<10240xf32, #tpu.memory_space<hbm>>
      %dma_wait3A_22 = arith.constant 0 : i32
      %dma_wait3A_23 = tpu.memref_slice %arg6[%add3A, %dma_wait3A_22] : memref<32x10240xf32, #tpu.memory_space<hbm>> -> memref<1x10240xf32, #tpu.memory_space<hbm>>
      %dma_wait3A_24 = tpu.memref_squeeze %dma_wait3A_23 : memref<1x10240xf32, #tpu.memory_space<hbm>> -> memref<10240xf32, #tpu.memory_space<hbm>>
      tpu.wait_dma2 semaphore(%run_scoped3A : memref<!tpu.dma_semaphore, #tpu.memory_space<semaphore_mem>>) src(%arg12 : memref<10240xf32, #tpu.memory_space<vmem>>) dst(%dma_wait3A_24 : memref<10240xf32, #tpu.memory_space<hbm>>)
      tpu.yield
    }) : () -> ()
    "tpu.region"() ({
      %run_scoped3A = tpu.sem_alloc : memref<!tpu.dma_semaphore, #tpu.memory_space<semaphore_mem>>
      %dma_start3A = arith.constant 0 : i32
      %dma_start3A_15 = tpu.memref_slice %arg7[%add3A, %dma_start3A] : memref<32x10240xf32, #tpu.memory_space<hbm>> -> memref<1x10240xf32, #tpu.memory_space<hbm>>
      %dma_start3A_16 = tpu.memref_squeeze %dma_start3A_15 : memref<1x10240xf32, #tpu.memory_space<hbm>> -> memref<10240xf32, #tpu.memory_space<hbm>>
      %dma_start3A_17 = arith.constant 0 : i32
      %dma_start3A_18 = tpu.memref_slice %arg7[%add3A, %dma_start3A_17] : memref<32x10240xf32, #tpu.memory_space<hbm>> -> memref<1x10240xf32, #tpu.memory_space<hbm>>
      %dma_start3A_19 = tpu.memref_squeeze %dma_start3A_18 : memref<1x10240xf32, #tpu.memory_space<hbm>> -> memref<10240xf32, #tpu.memory_space<hbm>>
      tpu.enqueue_dma source(%arg13 : memref<10240xf32, #tpu.memory_space<vmem>>) target(%dma_start3A_19 : memref<10240xf32, #tpu.memory_space<hbm>>) target_semaphore(%run_scoped3A : memref<!tpu.dma_semaphore, #tpu.memory_space<semaphore_mem>>)
      %dma_wait3A = arith.constant 0 : i32
      %dma_wait3A_20 = tpu.memref_slice %arg7[%add3A, %dma_wait3A] : memref<32x10240xf32, #tpu.memory_space<hbm>> -> memref<1x10240xf32, #tpu.memory_space<hbm>>
      %dma_wait3A_21 = tpu.memref_squeeze %dma_wait3A_20 : memref<1x10240xf32, #tpu.memory_space<hbm>> -> memref<10240xf32, #tpu.memory_space<hbm>>
      %dma_wait3A_22 = arith.constant 0 : i32
      %dma_wait3A_23 = tpu.memref_slice %arg7[%add3A, %dma_wait3A_22] : memref<32x10240xf32, #tpu.memory_space<hbm>> -> memref<1x10240xf32, #tpu.memory_space<hbm>>
      %dma_wait3A_24 = tpu.memref_squeeze %dma_wait3A_23 : memref<1x10240xf32, #tpu.memory_space<hbm>> -> memref<10240xf32, #tpu.memory_space<hbm>>
      tpu.wait_dma2 semaphore(%run_scoped3A : memref<!tpu.dma_semaphore, #tpu.memory_space<semaphore_mem>>) src(%arg13 : memref<10240xf32, #tpu.memory_space<vmem>>) dst(%dma_wait3A_24 : memref<10240xf32, #tpu.memory_space<hbm>>)
      tpu.yield
    }) : () -> ()
    return
  }
}

module attributes {stable_mosaic.version = 14 : i64} {
  func.func @_k2_body(%arg0: i32, %arg1: memref<16x16000xf32, #tpu.memory_space<vmem>>, %arg2: memref<16x1xf32, #tpu.memory_space<vmem>>, %arg3: memref<16x1xf32, #tpu.memory_space<vmem>>, %arg4: memref<1xf32, #tpu.memory_space<smem>>, %arg5: memref<1xf32, #tpu.memory_space<smem>>, %arg6: memref<320000xf32, #tpu.memory_space<vmem>>, %arg7: memref<320000xf32, #tpu.memory_space<vmem>>) attributes {dimension_semantics = [#tpu.dimension_semantics<arbitrary>], iteration_bounds = array<i64: 20>, scalar_prefetch = 0 : i64, scratch_operands = 0 : i64, tpu.core_type = #tpu.core_type<tc>, window_params = [{transform_indices = @transform_0, window_bounds = array<i64: 16, 16000>}, {pipeline_mode = #tpu.pipeline_mode<synchronous>, transform_indices = @transform_1, window_bounds = array<i64: 16, 1>}, {pipeline_mode = #tpu.pipeline_mode<synchronous>, transform_indices = @transform_2, window_bounds = array<i64: 16, 1>}, {transform_indices = @transform_3, window_bounds = array<i64: 1>}, {transform_indices = @transform_4, window_bounds = array<i64: 1>}, {pipeline_mode = #tpu.pipeline_mode<synchronous>, transform_indices = @transform_5, window_bounds = array<i64: 320000>}, {pipeline_mode = #tpu.pipeline_mode<synchronous>, transform_indices = @transform_6, window_bounds = array<i64: 320000>}]} {
    %get3A = arith.constant 0 : index
    %get3A_0 = arith.constant 0 : index
    %get3A_1 = vector.load %arg1[%get3A, %get3A_0] : memref<16x16000xf32, #tpu.memory_space<vmem>>, vector<16x16000xf32>
    %get3A_2 = arith.constant 0 : index
    %get3A_3 = arith.constant 0 : index
    %get3A_4 = vector.load %arg2[%get3A_2, %get3A_3] : memref<16x1xf32, #tpu.memory_space<vmem>>, vector<16x1xf32>
    %mul3A = vector.broadcast %get3A_4 : vector<16x1xf32> to vector<16x16000xf32>
    %mul3A_5 = arith.mulf %get3A_1, %mul3A : vector<16x16000xf32>
    %reduce_sum3A = arith.constant dense<0.000000e+00> : vector<16000xf32>
    %reduce_sum3A_6 = vector.multi_reduction <add>, %mul3A_5, %reduce_sum3A [0] : vector<16x16000xf32> to vector<16000xf32>
    %get3A_7 = arith.constant 0 : index
    %get3A_8 = memref.load %arg4[%get3A_7] : memref<1xf32, #tpu.memory_space<smem>>
    %add3A = vector.broadcast %get3A_8 : f32 to vector<16000xf32>
    %add3A_9 = arith.addf %reduce_sum3A_6, %add3A : vector<16000xf32>
    %get3A_10 = arith.constant 0 : index
    %get3A_11 = arith.constant 0 : index
    %get3A_12 = vector.load %arg3[%get3A_10, %get3A_11] : memref<16x1xf32, #tpu.memory_space<vmem>>, vector<16x1xf32>
    %mul3A_13 = vector.broadcast %get3A_12 : vector<16x1xf32> to vector<16x16000xf32>
    %mul3A_14 = arith.mulf %get3A_1, %mul3A_13 : vector<16x16000xf32>
    %reduce_sum3A_15 = arith.constant dense<0.000000e+00> : vector<16000xf32>
    %reduce_sum3A_16 = vector.multi_reduction <add>, %mul3A_14, %reduce_sum3A_15 [0] : vector<16x16000xf32> to vector<16000xf32>
    %get3A_17 = arith.constant 0 : index
    %get3A_18 = memref.load %arg5[%get3A_17] : memref<1xf32, #tpu.memory_space<smem>>
    %add3A_19 = vector.broadcast %get3A_18 : f32 to vector<16000xf32>
    %add3A_20 = arith.addf %reduce_sum3A_16, %add3A_19 : vector<16000xf32>
    %mul3A_21 = arith.constant 16000 : i32
    %mul3A_22 = arith.muli %arg0, %mul3A_21 : i32
    %swap3A = arith.index_cast %mul3A_22 : i32 to index
    %swap3A_23 = vector.load %arg6[%swap3A] : memref<320000xf32, #tpu.memory_space<vmem>>, vector<16000xf32>
    tpu.vector_store %arg6[%swap3A], %add3A_9 {strides = array<i32>} : memref<320000xf32, #tpu.memory_space<vmem>>, vector<16000xf32>,
    %swap3A_24 = arith.index_cast %mul3A_22 : i32 to index
    %swap3A_25 = vector.load %arg7[%swap3A_24] : memref<320000xf32, #tpu.memory_space<vmem>>, vector<16000xf32>
    tpu.vector_store %arg7[%swap3A_24], %add3A_20 {strides = array<i32>} : memref<320000xf32, #tpu.memory_space<vmem>>, vector<16000xf32>,
    return
  }
  func.func @transform_0(%arg0: i32) -> (i32, i32) {
    %c0_i32 = arith.constant 0 : i32
    %c0_i32_0 = arith.constant 0 : i32
    return %c0_i32, %arg0 : i32, i32
  }
  func.func @transform_1(%arg0: i32) -> (i32, i32) {
    %c0_i32 = arith.constant 0 : i32
    %c0_i32_0 = arith.constant 0 : i32
    %c0_i32_1 = arith.constant 0 : i32
    return %c0_i32, %c0_i32_0 : i32, i32
  }
  func.func @transform_2(%arg0: i32) -> (i32, i32) {
    %c0_i32 = arith.constant 0 : i32
    %c0_i32_0 = arith.constant 0 : i32
    %c0_i32_1 = arith.constant 0 : i32
    return %c0_i32, %c0_i32_0 : i32, i32
  }
  func.func @transform_3(%arg0: i32) -> i32 {
    %c0_i32 = arith.constant 0 : i32
    %c0_i32_0 = arith.constant 0 : i32
    return %c0_i32 : i32
  }
  func.func @transform_4(%arg0: i32) -> i32 {
    %c0_i32 = arith.constant 0 : i32
    %c0_i32_0 = arith.constant 0 : i32
    return %c0_i32 : i32
  }
  func.func @transform_5(%arg0: i32) -> i32 {
    %c0_i32 = arith.constant 0 : i32
    %c0_i32_0 = arith.constant 0 : i32
    return %c0_i32 : i32
  }
  func.func @transform_6(%arg0: i32) -> i32 {
    %c0_i32 = arith.constant 0 : i32
    %c0_i32_0 = arith.constant 0 : i32
    return %c0_i32 : i32
  }
}

module attributes {stable_mosaic.version = 14 : i64} {
  func.func @_k1_body(%arg0: i32, %arg1: memref<1280x128xf32, #tpu.memory_space<vmem>>, %arg2: memref<128x1xf32, #tpu.memory_space<vmem>>, %arg3: memref<128x1xf32, #tpu.memory_space<vmem>>, %arg4: memref<1xf32, #tpu.memory_space<smem>>, %arg5: memref<80x128xf32, #tpu.memory_space<vmem>>, %arg6: memref<80x128xf32, #tpu.memory_space<vmem>>) attributes {dimension_semantics = [#tpu.dimension_semantics<arbitrary>], iteration_bounds = array<i64: 8>, scalar_prefetch = 0 : i64, scratch_operands = 0 : i64, tpu.core_type = #tpu.core_type<tc>, window_params = [{transform_indices = @transform_0, window_bounds = array<i64: 1280, 128>}, {pipeline_mode = #tpu.pipeline_mode<synchronous>, transform_indices = @transform_1, window_bounds = array<i64: 128, 1>}, {pipeline_mode = #tpu.pipeline_mode<synchronous>, transform_indices = @transform_2, window_bounds = array<i64: 128, 1>}, {transform_indices = @transform_3, window_bounds = array<i64: 1>}, {pipeline_mode = #tpu.pipeline_mode<synchronous>, transform_indices = @transform_4, window_bounds = array<i64: 80, 128>}, {pipeline_mode = #tpu.pipeline_mode<synchronous>, transform_indices = @transform_5, window_bounds = array<i64: 80, 128>}]} {
    %get3A = arith.constant 0 : index
    %get3A_0 = arith.constant 0 : index
    %get3A_1 = vector.load %arg1[%get3A, %get3A_0] : memref<1280x128xf32, #tpu.memory_space<vmem>>, vector<1280x128xf32>
    %get3A_2 = arith.constant 0 : index
    %get3A_3 = arith.constant 0 : index
    %get3A_4 = vector.load %arg2[%get3A_2, %get3A_3] : memref<128x1xf32, #tpu.memory_space<vmem>>, vector<128x1xf32>
    %dot_general3A = arith.constant dense<0.000000e+00> : vector<1x1280xf32>
    %dot_general3A_5 = tpu.matmul %get3A_4, %get3A_1, %dot_general3A {dimension_numbers = #tpu.dot_dimension_numbers<[0], [1], [1], [0], [0, 1, 1, 0], [], []>, transpose_lhs_hint = false} : vector<128x1xf32>, vector<1280x128xf32>, vector<1x1280xf32> -> vector<1x1280xf32>
    %get3A_6 = arith.constant 0 : index
    %get3A_7 = memref.load %arg4[%get3A_6] : memref<1xf32, #tpu.memory_space<smem>>
    %add3A = vector.broadcast %get3A_7 : f32 to vector<1x1280xf32>
    %add3A_8 = arith.addf %dot_general3A_5, %add3A : vector<1x1280xf32>
    %get3A_9 = arith.constant 0 : index
    %get3A_10 = arith.constant 0 : index
    %get3A_11 = vector.load %arg3[%get3A_9, %get3A_10] : memref<128x1xf32, #tpu.memory_space<vmem>>, vector<128x1xf32>
    %dot_general3A_12 = arith.constant dense<0.000000e+00> : vector<1x1280xf32>
    %dot_general3A_13 = tpu.matmul %get3A_11, %get3A_1, %dot_general3A_12 {dimension_numbers = #tpu.dot_dimension_numbers<[0], [1], [1], [0], [0, 1, 1, 0], [], []>, transpose_lhs_hint = false} : vector<128x1xf32>, vector<1280x128xf32>, vector<1x1280xf32> -> vector<1x1280xf32>
    %mul3A = arith.constant 10 : i32
    %mul3A_14 = arith.muli %arg0, %mul3A : i32
    %reshape3A = vector.shape_cast %add3A_8 : vector<1x1280xf32> to vector<10x128xf32>
    %swap3A = arith.index_cast %mul3A_14 : i32 to index
    %swap3A_15 = arith.constant 0 : index
    %swap3A_16 = vector.load %arg5[%swap3A, %swap3A_15] : memref<80x128xf32, #tpu.memory_space<vmem>>, vector<10x128xf32>
    tpu.vector_store %arg5[%swap3A, %swap3A_15], %reshape3A {strides = array<i32>} : memref<80x128xf32, #tpu.memory_space<vmem>>, vector<10x128xf32>,
    %reshape3A_17 = vector.shape_cast %dot_general3A_13 : vector<1x1280xf32> to vector<10x128xf32>
    %swap3A_18 = arith.index_cast %mul3A_14 : i32 to index
    %swap3A_19 = arith.constant 0 : index
    %swap3A_20 = vector.load %arg6[%swap3A_18, %swap3A_19] : memref<80x128xf32, #tpu.memory_space<vmem>>, vector<10x128xf32>
    tpu.vector_store %arg6[%swap3A_18, %swap3A_19], %reshape3A_17 {strides = array<i32>} : memref<80x128xf32, #tpu.memory_space<vmem>>, vector<10x128xf32>,
    return
  }
  func.func @transform_0(%arg0: i32) -> (i32, i32) {
    %c0_i32 = arith.constant 0 : i32
    %c0_i32_0 = arith.constant 0 : i32
    return %arg0, %c0_i32 : i32, i32
  }
  func.func @transform_1(%arg0: i32) -> (i32, i32) {
    %c0_i32 = arith.constant 0 : i32
    %c0_i32_0 = arith.constant 0 : i32
    %c0_i32_1 = arith.constant 0 : i32
    return %c0_i32, %c0_i32_0 : i32, i32
  }
  func.func @transform_2(%arg0: i32) -> (i32, i32) {
    %c0_i32 = arith.constant 0 : i32
    %c0_i32_0 = arith.constant 0 : i32
    %c0_i32_1 = arith.constant 0 : i32
    return %c0_i32, %c0_i32_0 : i32, i32
  }
  func.func @transform_3(%arg0: i32) -> i32 {
    %c0_i32 = arith.constant 0 : i32
    %c0_i32_0 = arith.constant 0 : i32
    return %c0_i32 : i32
  }
  func.func @transform_4(%arg0: i32) -> (i32, i32) {
    %c0_i32 = arith.constant 0 : i32
    %c0_i32_0 = arith.constant 0 : i32
    %c0_i32_1 = arith.constant 0 : i32
    return %c0_i32, %c0_i32_0 : i32, i32
  }
  func.func @transform_5(%arg0: i32) -> (i32, i32) {
    %c0_i32 = arith.constant 0 : i32
    %c0_i32_0 = arith.constant 0 : i32
    %c0_i32_1 = arith.constant 0 : i32
    return %c0_i32, %c0_i32_0 : i32, i32
  }
}

module attributes {stable_mosaic.version = 14 : i64} {
  func.func @_r_body(%arg0: memref<32x80x128xf32, #tpu.memory_space<vmem>>, %arg1: memref<32x80x128xf32, #tpu.memory_space<vmem>>, %arg2: memref<80x128xf32, #tpu.memory_space<vmem>>, %arg3: memref<80x128xf32, #tpu.memory_space<vmem>>, %arg4: memref<80x128xf32, #tpu.memory_space<vmem>>, %arg5: memref<80x128xf32, #tpu.memory_space<vmem>>, %arg6: memref<64x1xf32, #tpu.memory_space<vmem>>, %arg7: memref<1xf32, #tpu.memory_space<smem>>, %arg8: memref<80xi32, #tpu.memory_space<smem>>, %arg9: memref<80xi32, #tpu.memory_space<smem>>, %arg10: memref<80x128xf32, #tpu.memory_space<vmem>>, %arg11: memref<80x128xf32, #tpu.memory_space<vmem>>, %arg12: memref<80x128xf32, #tpu.memory_space<vmem>>, %arg13: memref<80x128xf32, #tpu.memory_space<vmem>>, %arg14: memref<64x1xf32, #tpu.memory_space<vmem>>, %arg15: memref<10240x1xf32, #tpu.memory_space<vmem>>, %arg16: memref<10240x1xf32, #tpu.memory_space<vmem>>, %arg17: memref<10240x1xf32, #tpu.memory_space<vmem>>, %arg18: memref<80x128xf32, #tpu.memory_space<vmem>>) attributes {dimension_semantics = [], scalar_prefetch = 0 : i64, scratch_operands = 4 : i64, tpu.core_type = #tpu.core_type<tc>} {
    %scan3A = arith.constant 0 : i32
    %scan3A_0 = arith.constant 80 : i32
    %scan3A_1 = arith.addi %scan3A, %scan3A_0 : i32
    %scan3A_2 = arith.constant 1 : i32
    scf.for %scan3A_21 = %scan3A to %scan3A_1 step %scan3A_2  : i32 {
      %get3A_22 = arith.constant 0 : index
      %get3A_23 = arith.index_cast %scan3A_21 : i32 to index
      %get3A_24 = arith.constant 0 : index
      %get3A_25 = vector.load %arg0[%get3A_22, %get3A_23, %get3A_24] : memref<32x80x128xf32, #tpu.memory_space<vmem>>, vector<32x1x128xf32>
      %reduce_sum3A = arith.constant dense<0.000000e+00> : vector<1x128xf32>
      %reduce_sum3A_26 = vector.multi_reduction <add>, %get3A_25, %reduce_sum3A [0] : vector<32x1x128xf32> to vector<1x128xf32>
      %get3A_27 = arith.constant 0 : index
      %get3A_28 = arith.index_cast %scan3A_21 : i32 to index
      %get3A_29 = arith.constant 0 : index
      %get3A_30 = vector.load %arg1[%get3A_27, %get3A_28, %get3A_29] : memref<32x80x128xf32, #tpu.memory_space<vmem>>, vector<32x1x128xf32>
      %reduce_sum3A_31 = arith.constant dense<0.000000e+00> : vector<1x128xf32>
      %reduce_sum3A_32 = vector.multi_reduction <add>, %get3A_30, %reduce_sum3A_31 [0] : vector<32x1x128xf32> to vector<1x128xf32>
      %max3A = arith.constant 1.000000e+00 : f32
      %max3A_33 = vector.broadcast %max3A : f32 to vector<1x128xf32>
      %max3A_34 = arith.maximumf %reduce_sum3A_32, %max3A_33 : vector<1x128xf32>
      %div3A = arith.divf %reduce_sum3A_26, %max3A_34 : vector<1x128xf32>
      %swap3A_35 = arith.index_cast %scan3A_21 : i32 to index
      %swap3A_36 = arith.constant 0 : index
      %swap3A_37 = vector.load %arg10[%swap3A_35, %swap3A_36] : memref<80x128xf32, #tpu.memory_space<vmem>>, vector<1x128xf32>
      tpu.vector_store %arg10[%swap3A_35, %swap3A_36], %div3A {strides = array<i32>} : memref<80x128xf32, #tpu.memory_space<vmem>>, vector<1x128xf32>,
      %swap3A_38 = arith.index_cast %scan3A_21 : i32 to index
      %swap3A_39 = arith.constant 0 : index
      %swap3A_40 = vector.load %arg18[%swap3A_38, %swap3A_39] : memref<80x128xf32, #tpu.memory_space<vmem>>, vector<1x128xf32>
      tpu.vector_store %arg18[%swap3A_38, %swap3A_39], %div3A {strides = array<i32>} : memref<80x128xf32, #tpu.memory_space<vmem>>, vector<1x128xf32>,
      %mul3A_41 = arith.constant 128 : i32
      %mul3A_42 = arith.muli %scan3A_21, %mul3A_41 : i32
      %reshape3A = vector.shape_cast %div3A : vector<1x128xf32> to vector<128x1xf32>
      %swap3A_43 = arith.index_cast %mul3A_42 : i32 to index
      %swap3A_44 = arith.constant 0 : index
      %swap3A_45 = vector.load %arg15[%swap3A_43, %swap3A_44] : memref<10240x1xf32, #tpu.memory_space<vmem>>, vector<128x1xf32>
      tpu.vector_store %arg15[%swap3A_43, %swap3A_44], %reshape3A {strides = array<i32>} : memref<10240x1xf32, #tpu.memory_space<vmem>>, vector<128x1xf32>,
      %get3A_46 = arith.index_cast %scan3A_21 : i32 to index
      %get3A_47 = arith.constant 0 : index
      %get3A_48 = vector.load %arg2[%get3A_46, %get3A_47] : memref<80x128xf32, #tpu.memory_space<vmem>>, vector<1x128xf32>
      %reshape3A_49 = vector.shape_cast %get3A_48 : vector<1x128xf32> to vector<128x1xf32>
      %swap3A_50 = arith.index_cast %mul3A_42 : i32 to index
      %swap3A_51 = arith.constant 0 : index
      %swap3A_52 = vector.load %arg16[%swap3A_50, %swap3A_51] : memref<10240x1xf32, #tpu.memory_space<vmem>>, vector<128x1xf32>
      tpu.vector_store %arg16[%swap3A_50, %swap3A_51], %reshape3A_49 {strides = array<i32>} : memref<10240x1xf32, #tpu.memory_space<vmem>>, vector<128x1xf32>,
      %get3A_53 = arith.index_cast %scan3A_21 : i32 to index
      %get3A_54 = arith.constant 0 : index
      %get3A_55 = vector.load %arg3[%get3A_53, %get3A_54] : memref<80x128xf32, #tpu.memory_space<vmem>>, vector<1x128xf32>
      %gt3A = arith.constant 0.000000e+00 : f32
      %gt3A_56 = vector.broadcast %gt3A : f32 to vector<1x128xf32>
      %gt3A_57 = arith.cmpf ogt, %get3A_55, %gt3A_56 : vector<1x128xf32>
      %get3A_58 = arith.index_cast %scan3A_21 : i32 to index
      %get3A_59 = arith.constant 0 : index
      %get3A_60 = vector.load %arg4[%get3A_58, %get3A_59] : memref<80x128xf32, #tpu.memory_space<vmem>>, vector<1x128xf32>
      %jit3A = arith.constant -1.000000e+00 : f32
      %broadcast_in_dim3A_61 = vector.broadcast %jit3A : f32 to vector<1x128xf32>
      %select_n3A = arith.select %gt3A_57, %get3A_60, %broadcast_in_dim3A_61 : vector<1x128xi1>, vector<1x128xf32>
      %reshape3A_62 = vector.shape_cast %select_n3A : vector<1x128xf32> to vector<128x1xf32>
      %swap3A_63 = arith.index_cast %mul3A_42 : i32 to index
      %swap3A_64 = arith.constant 0 : index
      %swap3A_65 = vector.load %arg17[%swap3A_63, %swap3A_64] : memref<10240x1xf32, #tpu.memory_space<vmem>>, vector<128x1xf32>
      tpu.vector_store %arg17[%swap3A_63, %swap3A_64], %reshape3A_62 {strides = array<i32>} : memref<10240x1xf32, #tpu.memory_space<vmem>>, vector<128x1xf32>,
    }
    %scan3A_3 = arith.constant 80 : i32
    %get3A = arith.constant 0 : index
    %get3A_4 = arith.constant 0 : index
    %get3A_5 = vector.load %arg6[%get3A, %get3A_4] : memref<64x1xf32, #tpu.memory_space<vmem>>, vector<64x1xf32>
    %mul3A = arith.constant 5.000000e-01 : f32
    %mul3A_6 = vector.broadcast %mul3A : f32 to vector<64x1xf32>
    %mul3A_7 = arith.mulf %mul3A_6, %get3A_5 : vector<64x1xf32>
    %ceil3A = math.ceil %mul3A_7 : vector<64x1xf32>
    %iota3A = tpu.iota {dimensions = array<i32: 0>} : vector<64x1xi32>
    %convert_element_type3A = arith.sitofp %iota3A : vector<64x1xi32> to vector<64x1xf32>
    %iota3A_8 = tpu.iota {dimensions = array<i32: 1>} : vector<1x128xi32>
    %convert_element_type3A_9 = arith.sitofp %iota3A_8 : vector<1x128xi32> to vector<1x128xf32>
    %iota3A_10 = tpu.iota {dimensions = array<i32: 0>} : vector<128x1xi32>
    %convert_element_type3A_11 = arith.sitofp %iota3A_10 : vector<128x1xi32> to vector<128x1xf32>
    %broadcast_in_dim3A = arith.constant 0.000000e+00 : f32
    %broadcast_in_dim3A_12 = vector.broadcast %broadcast_in_dim3A : f32 to vector<64x1xf32>
    %scan3A_13 = arith.constant 0 : i32
    %scan3A_14 = arith.constant 80 : i32
    %scan3A_15 = arith.addi %scan3A_13, %scan3A_14 : i32
    %scan3A_16 = arith.constant 1 : i32
    %scan3A_17 = scf.for %scan3A_21 = %scan3A_13 to %scan3A_15 step %scan3A_16 iter_args(%scan3A_22 = %broadcast_in_dim3A_12) -> (vector<64x1xf32>)  : i32 {
      %get3A_23 = arith.index_cast %scan3A_21 : i32 to index
      %get3A_24 = arith.constant 0 : index
      %get3A_25 = vector.load %arg18[%get3A_23, %get3A_24] : memref<80x128xf32, #tpu.memory_space<vmem>>, vector<1x128xf32>
      %get3A_26 = arith.index_cast %scan3A_21 : i32 to index
      %get3A_27 = arith.constant 0 : index
      %get3A_28 = vector.load %arg2[%get3A_26, %get3A_27] : memref<80x128xf32, #tpu.memory_space<vmem>>, vector<1x128xf32>
      %get3A_29 = arith.index_cast %scan3A_21 : i32 to index
      %get3A_30 = arith.constant 0 : index
      %get3A_31 = vector.load %arg4[%get3A_29, %get3A_30] : memref<80x128xf32, #tpu.memory_space<vmem>>, vector<1x128xf32>
      %mul3A_32 = arith.constant 128 : i32
      %mul3A_33 = arith.muli %scan3A_21, %mul3A_32 : i32
      %convert_element_type3A_34 = arith.sitofp %mul3A_33 : i32 to f32
      %add3A = vector.broadcast %convert_element_type3A_34 : f32 to vector<1x128xf32>
      %add3A_35 = arith.addf %add3A, %convert_element_type3A_9 : vector<1x128xf32>
      %get3A_36 = arith.index_cast %scan3A_21 : i32 to index
      %get3A_37 = memref.load %arg8[%get3A_36] : memref<80xi32, #tpu.memory_space<smem>>
      %get3A_38 = arith.index_cast %scan3A_21 : i32 to index
      %get3A_39 = memref.load %arg9[%get3A_38] : memref<80xi32, #tpu.memory_space<smem>>
      %add3A_40 = arith.constant 1 : i32
      %add3A_41 = arith.addi %get3A_39, %add3A_40 : i32
      %broadcast_in_dim3A_42 = arith.constant 0.000000e+00 : f32
      %broadcast_in_dim3A_43 = vector.broadcast %broadcast_in_dim3A_42 : f32 to vector<1x128xf32>
      %while3A = arith.subi %add3A_41, %get3A_37 : i32
      %while3A_44 = arith.addi %get3A_37, %while3A : i32
      %while3A_45 = arith.constant 1 : i32
      %while3A_46 = arith.divsi %while3A, %while3A_45 : i32
      %while3A_47 = arith.muli %while3A_46, %while3A_45 : i32
      %while3A_48 = arith.addi %get3A_37, %while3A_47 : i32
      %while3A_49 = arith.constant 1 : i32
      %while3A_50 = scf.for %while3A_97 = %get3A_37 to %while3A_48 step %while3A_49 iter_args(%while3A_98 = %broadcast_in_dim3A_43) -> (vector<1x128xf32>)  : i32 {
        %mul3A_99 = arith.constant 128 : i32
        %mul3A_100 = arith.muli %while3A_97, %mul3A_99 : i32
        %get3A_101 = arith.index_cast %mul3A_100 : i32 to index
        %get3A_102 = arith.constant 0 : index
        %get3A_103 = vector.load %arg15[%get3A_101, %get3A_102] : memref<10240x1xf32, #tpu.memory_space<vmem>>, vector<128x1xf32>
        %get3A_104 = arith.index_cast %mul3A_100 : i32 to index
        %get3A_105 = arith.constant 0 : index
        %get3A_106 = vector.load %arg16[%get3A_104, %get3A_105] : memref<10240x1xf32, #tpu.memory_space<vmem>>, vector<128x1xf32>
        %get3A_107 = arith.index_cast %mul3A_100 : i32 to index
        %get3A_108 = arith.constant 0 : index
        %get3A_109 = vector.load %arg17[%get3A_107, %get3A_108] : memref<10240x1xf32, #tpu.memory_space<vmem>>, vector<128x1xf32>
        %mul3A_110 = arith.constant 128 : i32
        %mul3A_111 = arith.muli %while3A_97, %mul3A_110 : i32
        %convert_element_type3A_112 = arith.sitofp %mul3A_111 : i32 to f32
        %add3A_113 = vector.broadcast %convert_element_type3A_112 : f32 to vector<128x1xf32>
        %add3A_114 = arith.addf %add3A_113, %convert_element_type3A_11 : vector<128x1xf32>
        %eq3A_115 = vector.broadcast %get3A_109 : vector<128x1xf32> to vector<128x128xf32>
        %eq3A_116 = vector.broadcast %get3A_31 : vector<1x128xf32> to vector<128x128xf32>
        %eq3A_117 = arith.cmpf oeq, %eq3A_115, %eq3A_116 : vector<128x128xf32>
        %gt3A_118 = vector.broadcast %get3A_103 : vector<128x1xf32> to vector<128x128xf32>
        %gt3A_119 = vector.broadcast %get3A_25 : vector<1x128xf32> to vector<128x128xf32>
        %gt3A_120 = arith.cmpf ogt, %gt3A_118, %gt3A_119 : vector<128x128xf32>
        %eq3A_121 = vector.broadcast %get3A_103 : vector<128x1xf32> to vector<128x128xf32>
        %eq3A_122 = vector.broadcast %get3A_25 : vector<1x128xf32> to vector<128x128xf32>
        %eq3A_123 = arith.cmpf oeq, %eq3A_121, %eq3A_122 : vector<128x128xf32>
        %gt3A_124 = vector.broadcast %get3A_106 : vector<128x1xf32> to vector<128x128xf32>
        %gt3A_125 = vector.broadcast %get3A_28 : vector<1x128xf32> to vector<128x128xf32>
        %gt3A_126 = arith.cmpf ogt, %gt3A_124, %gt3A_125 : vector<128x128xf32>
        %eq3A_127 = vector.broadcast %get3A_106 : vector<128x1xf32> to vector<128x128xf32>
        %eq3A_128 = vector.broadcast %get3A_28 : vector<1x128xf32> to vector<128x128xf32>
        %eq3A_129 = arith.cmpf oeq, %eq3A_127, %eq3A_128 : vector<128x128xf32>
        %lt3A_130 = vector.broadcast %add3A_114 : vector<128x1xf32> to vector<128x128xf32>
        %lt3A_131 = vector.broadcast %add3A_35 : vector<1x128xf32> to vector<128x128xf32>
        %lt3A_132 = arith.cmpf olt, %lt3A_130, %lt3A_131 : vector<128x128xf32>
        %and3A_133 = arith.andi %eq3A_129, %lt3A_132 : vector<128x128xi1>
        %or3A = arith.ori %gt3A_126, %and3A_133 : vector<128x128xi1>
        %and3A_134 = arith.andi %eq3A_123, %or3A : vector<128x128xi1>
        %or3A_135 = arith.ori %gt3A_120, %and3A_134 : vector<128x128xi1>
        %and3A_136 = arith.andi %eq3A_117, %or3A_135 : vector<128x128xi1>
        %jit3A_137 = arith.constant 1.000000e+00 : f32
        %jit3A_138 = arith.constant 0.000000e+00 : f32
        %broadcast_in_dim3A_139 = vector.broadcast %jit3A_137 : f32 to vector<128x128xf32>
        %broadcast_in_dim3A_140 = vector.broadcast %jit3A_138 : f32 to vector<128x128xf32>
        %select_n3A_141 = arith.select %and3A_136, %broadcast_in_dim3A_139, %broadcast_in_dim3A_140 : vector<128x128xi1>, vector<128x128xf32>
        %reduce_sum3A_142 = arith.constant dense<0.000000e+00> : vector<128xf32>
        %reduce_sum3A_143 = vector.multi_reduction <add>, %select_n3A_141, %reduce_sum3A_142 [0] : vector<128x128xf32> to vector<128xf32>
        %broadcast_in_dim3A_144 = vector.shape_cast %reduce_sum3A_143 : vector<128xf32> to vector<1x128xf32>
        %add3A_145 = arith.addf %while3A_98, %broadcast_in_dim3A_144 : vector<1x128xf32>
        scf.yield %add3A_145 : vector<1x128xf32>
      }
      %while3A_51 = arith.constant 1 : i32
      %while3A_52 = scf.for %while3A_97 = %while3A_48 to %while3A_44 step %while3A_51 iter_args(%while3A_98 = %while3A_50) -> (vector<1x128xf32>)  : i32 {
        %mul3A_99 = arith.constant 128 : i32
        %mul3A_100 = arith.muli %while3A_97, %mul3A_99 : i32
        %get3A_101 = arith.index_cast %mul3A_100 : i32 to index
        %get3A_102 = arith.constant 0 : index
        %get3A_103 = vector.load %arg15[%get3A_101, %get3A_102] : memref<10240x1xf32, #tpu.memory_space<vmem>>, vector<128x1xf32>
        %get3A_104 = arith.index_cast %mul3A_100 : i32 to index
        %get3A_105 = arith.constant 0 : index
        %get3A_106 = vector.load %arg16[%get3A_104, %get3A_105] : memref<10240x1xf32, #tpu.memory_space<vmem>>, vector<128x1xf32>
        %get3A_107 = arith.index_cast %mul3A_100 : i32 to index
        %get3A_108 = arith.constant 0 : index
        %get3A_109 = vector.load %arg17[%get3A_107, %get3A_108] : memref<10240x1xf32, #tpu.memory_space<vmem>>, vector<128x1xf32>
        %mul3A_110 = arith.constant 128 : i32
        %mul3A_111 = arith.muli %while3A_97, %mul3A_110 : i32
        %convert_element_type3A_112 = arith.sitofp %mul3A_111 : i32 to f32
        %add3A_113 = vector.broadcast %convert_element_type3A_112 : f32 to vector<128x1xf32>
        %add3A_114 = arith.addf %add3A_113, %convert_element_type3A_11 : vector<128x1xf32>
        %eq3A_115 = vector.broadcast %get3A_109 : vector<128x1xf32> to vector<128x128xf32>
        %eq3A_116 = vector.broadcast %get3A_31 : vector<1x128xf32> to vector<128x128xf32>
        %eq3A_117 = arith.cmpf oeq, %eq3A_115, %eq3A_116 : vector<128x128xf32>
        %gt3A_118 = vector.broadcast %get3A_103 : vector<128x1xf32> to vector<128x128xf32>
        %gt3A_119 = vector.broadcast %get3A_25 : vector<1x128xf32> to vector<128x128xf32>
        %gt3A_120 = arith.cmpf ogt, %gt3A_118, %gt3A_119 : vector<128x128xf32>
        %eq3A_121 = vector.broadcast %get3A_103 : vector<128x1xf32> to vector<128x128xf32>
        %eq3A_122 = vector.broadcast %get3A_25 : vector<1x128xf32> to vector<128x128xf32>
        %eq3A_123 = arith.cmpf oeq, %eq3A_121, %eq3A_122 : vector<128x128xf32>
        %gt3A_124 = vector.broadcast %get3A_106 : vector<128x1xf32> to vector<128x128xf32>
        %gt3A_125 = vector.broadcast %get3A_28 : vector<1x128xf32> to vector<128x128xf32>
        %gt3A_126 = arith.cmpf ogt, %gt3A_124, %gt3A_125 : vector<128x128xf32>
        %eq3A_127 = vector.broadcast %get3A_106 : vector<128x1xf32> to vector<128x128xf32>
        %eq3A_128 = vector.broadcast %get3A_28 : vector<1x128xf32> to vector<128x128xf32>
        %eq3A_129 = arith.cmpf oeq, %eq3A_127, %eq3A_128 : vector<128x128xf32>
        %lt3A_130 = vector.broadcast %add3A_114 : vector<128x1xf32> to vector<128x128xf32>
        %lt3A_131 = vector.broadcast %add3A_35 : vector<1x128xf32> to vector<128x128xf32>
        %lt3A_132 = arith.cmpf olt, %lt3A_130, %lt3A_131 : vector<128x128xf32>
        %and3A_133 = arith.andi %eq3A_129, %lt3A_132 : vector<128x128xi1>
        %or3A = arith.ori %gt3A_126, %and3A_133 : vector<128x128xi1>
        %and3A_134 = arith.andi %eq3A_123, %or3A : vector<128x128xi1>
        %or3A_135 = arith.ori %gt3A_120, %and3A_134 : vector<128x128xi1>
        %and3A_136 = arith.andi %eq3A_117, %or3A_135 : vector<128x128xi1>
        %jit3A_137 = arith.constant 1.000000e+00 : f32
        %jit3A_138 = arith.constant 0.000000e+00 : f32
        %broadcast_in_dim3A_139 = vector.broadcast %jit3A_137 : f32 to vector<128x128xf32>
        %broadcast_in_dim3A_140 = vector.broadcast %jit3A_138 : f32 to vector<128x128xf32>
        %select_n3A_141 = arith.select %and3A_136, %broadcast_in_dim3A_139, %broadcast_in_dim3A_140 : vector<128x128xi1>, vector<128x128xf32>
        %reduce_sum3A_142 = arith.constant dense<0.000000e+00> : vector<128xf32>
        %reduce_sum3A_143 = vector.multi_reduction <add>, %select_n3A_141, %reduce_sum3A_142 [0] : vector<128x128xf32> to vector<128xf32>
        %broadcast_in_dim3A_144 = vector.shape_cast %reduce_sum3A_143 : vector<128xf32> to vector<1x128xf32>
        %add3A_145 = arith.addf %while3A_98, %broadcast_in_dim3A_144 : vector<1x128xf32>
        scf.yield %add3A_145 : vector<1x128xf32>
      }
      %eq3A = vector.broadcast %convert_element_type3A : vector<64x1xf32> to vector<64x128xf32>
      %eq3A_53 = vector.broadcast %get3A_31 : vector<1x128xf32> to vector<64x128xf32>
      %eq3A_54 = arith.cmpf oeq, %eq3A, %eq3A_53 : vector<64x128xf32>
      %jit3A = arith.constant 0.000000e+00 : f32
      %broadcast_in_dim3A_55 = vector.shape_cast %ceil3A : vector<64x1xf32> to vector<64x1xf32>
      %broadcast_in_dim3A_56 = vector.broadcast %broadcast_in_dim3A_55 : vector<64x1xf32> to vector<64x128xf32>
      %broadcast_in_dim3A_57 = vector.broadcast %jit3A : f32 to vector<64x128xf32>
      %select_n3A = arith.select %eq3A_54, %broadcast_in_dim3A_56, %broadcast_in_dim3A_57 : vector<64x128xi1>, vector<64x128xf32>
      %reduce_sum3A = arith.constant dense<0.000000e+00> : vector<128xf32>
      %reduce_sum3A_58 = vector.multi_reduction <add>, %select_n3A, %reduce_sum3A [0] : vector<64x128xf32> to vector<128xf32>
      %broadcast_in_dim3A_59 = vector.shape_cast %reduce_sum3A_58 : vector<128xf32> to vector<1x128xf32>
      %get3A_60 = arith.index_cast %scan3A_21 : i32 to index
      %get3A_61 = arith.constant 0 : index
      %get3A_62 = vector.load %arg3[%get3A_60, %get3A_61] : memref<80x128xf32, #tpu.memory_space<vmem>>, vector<1x128xf32>
      %gt3A = arith.constant 0.000000e+00 : f32
      %gt3A_63 = vector.broadcast %gt3A : f32 to vector<1x128xf32>
      %gt3A_64 = arith.cmpf ogt, %get3A_62, %gt3A_63 : vector<1x128xf32>
      %lt3A = arith.cmpf olt, %while3A_52, %broadcast_in_dim3A_59 : vector<1x128xf32>
      %and3A = arith.andi %gt3A_64, %lt3A : vector<1x128xi1>
      %jit3A_65 = arith.constant 1.000000e+00 : f32
      %jit3A_66 = arith.constant 0.000000e+00 : f32
      %broadcast_in_dim3A_67 = vector.broadcast %jit3A_65 : f32 to vector<1x128xf32>
      %broadcast_in_dim3A_68 = vector.broadcast %jit3A_66 : f32 to vector<1x128xf32>
      %select_n3A_69 = arith.select %and3A, %broadcast_in_dim3A_67, %broadcast_in_dim3A_68 : vector<1x128xi1>, vector<1x128xf32>
      %swap3A_70 = arith.index_cast %scan3A_21 : i32 to index
      %swap3A_71 = arith.constant 0 : index
      %swap3A_72 = vector.load %arg11[%swap3A_70, %swap3A_71] : memref<80x128xf32, #tpu.memory_space<vmem>>, vector<1x128xf32>
      tpu.vector_store %arg11[%swap3A_70, %swap3A_71], %select_n3A_69 {strides = array<i32>} : memref<80x128xf32, #tpu.memory_space<vmem>>, vector<1x128xf32>,
      %tanh3A = math.tanh %get3A_25 : vector<1x128xf32>
      %get3A_73 = arith.index_cast %scan3A_21 : i32 to index
      %get3A_74 = arith.constant 0 : index
      %get3A_75 = vector.load %arg5[%get3A_73, %get3A_74] : memref<80x128xf32, #tpu.memory_space<vmem>>, vector<1x128xf32>
      %mul3A_76 = arith.mulf %tanh3A, %get3A_75 : vector<1x128xf32>
      %get3A_77 = arith.constant 0 : index
      %get3A_78 = memref.load %arg7[%get3A_77] : memref<1xf32, #tpu.memory_space<smem>>
      %add3A_79 = vector.broadcast %get3A_78 : f32 to vector<1x128xf32>
      %add3A_80 = arith.addf %mul3A_76, %add3A_79 : vector<1x128xf32>
      %mul3A_81 = arith.mulf %select_n3A_69, %add3A_80 : vector<1x128xf32>
      %swap3A_82 = arith.index_cast %scan3A_21 : i32 to index
      %swap3A_83 = arith.constant 0 : index
      %swap3A_84 = vector.load %arg12[%swap3A_82, %swap3A_83] : memref<80x128xf32, #tpu.memory_space<vmem>>, vector<1x128xf32>
      tpu.vector_store %arg12[%swap3A_82, %swap3A_83], %mul3A_81 {strides = array<i32>} : memref<80x128xf32, #tpu.memory_space<vmem>>, vector<1x128xf32>,
      %swap3A_85 = arith.index_cast %scan3A_21 : i32 to index
      %swap3A_86 = arith.constant 0 : index
      %swap3A_87 = vector.load %arg13[%swap3A_85, %swap3A_86] : memref<80x128xf32, #tpu.memory_space<vmem>>, vector<1x128xf32>
      tpu.vector_store %arg13[%swap3A_85, %swap3A_86], %select_n3A_69 {strides = array<i32>} : memref<80x128xf32, #tpu.memory_space<vmem>>, vector<1x128xf32>,
      %jit3A_88 = arith.constant 0.000000e+00 : f32
      %broadcast_in_dim3A_89 = vector.shape_cast %select_n3A_69 : vector<1x128xf32> to vector<1x128xf32>
      %broadcast_in_dim3A_90 = vector.broadcast %broadcast_in_dim3A_89 : vector<1x128xf32> to vector<64x128xf32>
      %broadcast_in_dim3A_91 = vector.broadcast %jit3A_88 : f32 to vector<64x128xf32>
      %select_n3A_92 = arith.select %eq3A_54, %broadcast_in_dim3A_90, %broadcast_in_dim3A_91 : vector<64x128xi1>, vector<64x128xf32>
      %reduce_sum3A_93 = arith.constant dense<0.000000e+00> : vector<64xf32>
      %reduce_sum3A_94 = vector.multi_reduction <add>, %select_n3A_92, %reduce_sum3A_93 [1] : vector<64x128xf32> to vector<64xf32>
      %broadcast_in_dim3A_95 = vector.shape_cast %reduce_sum3A_94 : vector<64xf32> to vector<64x1xf32>
      %add3A_96 = arith.addf %scan3A_22, %broadcast_in_dim3A_95 : vector<64x1xf32>
      scf.yield %add3A_96 : vector<64x1xf32>
    }
    %scan3A_18 = arith.constant 80 : i32
    %swap3A = arith.constant 0 : index
    %swap3A_19 = arith.constant 0 : index
    %swap3A_20 = vector.load %arg14[%swap3A, %swap3A_19] : memref<64x1xf32, #tpu.memory_space<vmem>>, vector<64x1xf32>
    tpu.vector_store %arg14[%swap3A, %swap3A_19], %scan3A_17 {strides = array<i32>} : memref<64x1xf32, #tpu.memory_space<vmem>>, vector<64x1xf32>,
    return
  }
}

module attributes {stable_mosaic.version = 14 : i64} {
  func.func @_r_body(%arg0: memref<32x80x128xf32, #tpu.memory_space<vmem>>, %arg1: memref<32x80x128xf32, #tpu.memory_space<vmem>>, %arg2: memref<80x128xf32, #tpu.memory_space<vmem>>, %arg3: memref<80x128xf32, #tpu.memory_space<vmem>>, %arg4: memref<80x128xf32, #tpu.memory_space<vmem>>, %arg5: memref<80x128xf32, #tpu.memory_space<vmem>>, %arg6: memref<64x1xf32, #tpu.memory_space<vmem>>, %arg7: memref<1xf32, #tpu.memory_space<smem>>, %arg8: memref<80xi32, #tpu.memory_space<smem>>, %arg9: memref<80xi32, #tpu.memory_space<smem>>, %arg10: memref<80x128xf32, #tpu.memory_space<vmem>>, %arg11: memref<80x128xf32, #tpu.memory_space<vmem>>, %arg12: memref<80x128xf32, #tpu.memory_space<vmem>>, %arg13: memref<80x128xf32, #tpu.memory_space<vmem>>, %arg14: memref<64x1xf32, #tpu.memory_space<vmem>>, %arg15: memref<10240x1xf32, #tpu.memory_space<vmem>>, %arg16: memref<10240x1xf32, #tpu.memory_space<vmem>>, %arg17: memref<10240x1xf32, #tpu.memory_space<vmem>>, %arg18: memref<80x128xf32, #tpu.memory_space<vmem>>) attributes {dimension_semantics = [], scalar_prefetch = 0 : i64, scratch_operands = 4 : i64, tpu.core_type = #tpu.core_type<tc>} {
    %scan3A = arith.constant 0 : i32
    %scan3A_0 = arith.constant 80 : i32
    %scan3A_1 = arith.addi %scan3A, %scan3A_0 : i32
    %scan3A_2 = arith.constant 1 : i32
    scf.for %scan3A_21 = %scan3A to %scan3A_1 step %scan3A_2  : i32 {
      %get3A_22 = arith.constant 0 : index
      %get3A_23 = arith.index_cast %scan3A_21 : i32 to index
      %get3A_24 = arith.constant 0 : index
      %get3A_25 = vector.load %arg0[%get3A_22, %get3A_23, %get3A_24] : memref<32x80x128xf32, #tpu.memory_space<vmem>>, vector<32x1x128xf32>
      %reduce_sum3A = arith.constant dense<0.000000e+00> : vector<1x128xf32>
      %reduce_sum3A_26 = vector.multi_reduction <add>, %get3A_25, %reduce_sum3A [0] : vector<32x1x128xf32> to vector<1x128xf32>
      %get3A_27 = arith.constant 0 : index
      %get3A_28 = arith.index_cast %scan3A_21 : i32 to index
      %get3A_29 = arith.constant 0 : index
      %get3A_30 = vector.load %arg1[%get3A_27, %get3A_28, %get3A_29] : memref<32x80x128xf32, #tpu.memory_space<vmem>>, vector<32x1x128xf32>
      %reduce_sum3A_31 = arith.constant dense<0.000000e+00> : vector<1x128xf32>
      %reduce_sum3A_32 = vector.multi_reduction <add>, %get3A_30, %reduce_sum3A_31 [0] : vector<32x1x128xf32> to vector<1x128xf32>
      %max3A = arith.constant 1.000000e+00 : f32
      %max3A_33 = vector.broadcast %max3A : f32 to vector<1x128xf32>
      %max3A_34 = arith.maximumf %reduce_sum3A_32, %max3A_33 : vector<1x128xf32>
      %div3A = arith.divf %reduce_sum3A_26, %max3A_34 : vector<1x128xf32>
      %swap3A_35 = arith.index_cast %scan3A_21 : i32 to index
      %swap3A_36 = arith.constant 0 : index
      %swap3A_37 = vector.load %arg10[%swap3A_35, %swap3A_36] : memref<80x128xf32, #tpu.memory_space<vmem>>, vector<1x128xf32>
      tpu.vector_store %arg10[%swap3A_35, %swap3A_36], %div3A {strides = array<i32>} : memref<80x128xf32, #tpu.memory_space<vmem>>, vector<1x128xf32>,
      %swap3A_38 = arith.index_cast %scan3A_21 : i32 to index
      %swap3A_39 = arith.constant 0 : index
      %swap3A_40 = vector.load %arg18[%swap3A_38, %swap3A_39] : memref<80x128xf32, #tpu.memory_space<vmem>>, vector<1x128xf32>
      tpu.vector_store %arg18[%swap3A_38, %swap3A_39], %div3A {strides = array<i32>} : memref<80x128xf32, #tpu.memory_space<vmem>>, vector<1x128xf32>,
      %mul3A_41 = arith.constant 128 : i32
      %mul3A_42 = arith.muli %scan3A_21, %mul3A_41 : i32
      %reshape3A = vector.shape_cast %div3A : vector<1x128xf32> to vector<128x1xf32>
      %swap3A_43 = arith.index_cast %mul3A_42 : i32 to index
      %swap3A_44 = arith.constant 0 : index
      %swap3A_45 = vector.load %arg15[%swap3A_43, %swap3A_44] : memref<10240x1xf32, #tpu.memory_space<vmem>>, vector<128x1xf32>
      tpu.vector_store %arg15[%swap3A_43, %swap3A_44], %reshape3A {strides = array<i32>} : memref<10240x1xf32, #tpu.memory_space<vmem>>, vector<128x1xf32>,
      %get3A_46 = arith.index_cast %scan3A_21 : i32 to index
      %get3A_47 = arith.constant 0 : index
      %get3A_48 = vector.load %arg2[%get3A_46, %get3A_47] : memref<80x128xf32, #tpu.memory_space<vmem>>, vector<1x128xf32>
      %reshape3A_49 = vector.shape_cast %get3A_48 : vector<1x128xf32> to vector<128x1xf32>
      %swap3A_50 = arith.index_cast %mul3A_42 : i32 to index
      %swap3A_51 = arith.constant 0 : index
      %swap3A_52 = vector.load %arg16[%swap3A_50, %swap3A_51] : memref<10240x1xf32, #tpu.memory_space<vmem>>, vector<128x1xf32>
      tpu.vector_store %arg16[%swap3A_50, %swap3A_51], %reshape3A_49 {strides = array<i32>} : memref<10240x1xf32, #tpu.memory_space<vmem>>, vector<128x1xf32>,
      %get3A_53 = arith.index_cast %scan3A_21 : i32 to index
      %get3A_54 = arith.constant 0 : index
      %get3A_55 = vector.load %arg3[%get3A_53, %get3A_54] : memref<80x128xf32, #tpu.memory_space<vmem>>, vector<1x128xf32>
      %gt3A = arith.constant 0.000000e+00 : f32
      %gt3A_56 = vector.broadcast %gt3A : f32 to vector<1x128xf32>
      %gt3A_57 = arith.cmpf ogt, %get3A_55, %gt3A_56 : vector<1x128xf32>
      %get3A_58 = arith.index_cast %scan3A_21 : i32 to index
      %get3A_59 = arith.constant 0 : index
      %get3A_60 = vector.load %arg4[%get3A_58, %get3A_59] : memref<80x128xf32, #tpu.memory_space<vmem>>, vector<1x128xf32>
      %jit3A = arith.constant -1.000000e+00 : f32
      %broadcast_in_dim3A_61 = vector.broadcast %jit3A : f32 to vector<1x128xf32>
      %select_n3A = arith.select %gt3A_57, %get3A_60, %broadcast_in_dim3A_61 : vector<1x128xi1>, vector<1x128xf32>
      %reshape3A_62 = vector.shape_cast %select_n3A : vector<1x128xf32> to vector<128x1xf32>
      %swap3A_63 = arith.index_cast %mul3A_42 : i32 to index
      %swap3A_64 = arith.constant 0 : index
      %swap3A_65 = vector.load %arg17[%swap3A_63, %swap3A_64] : memref<10240x1xf32, #tpu.memory_space<vmem>>, vector<128x1xf32>
      tpu.vector_store %arg17[%swap3A_63, %swap3A_64], %reshape3A_62 {strides = array<i32>} : memref<10240x1xf32, #tpu.memory_space<vmem>>, vector<128x1xf32>,
    }
    %scan3A_3 = arith.constant 80 : i32
    %get3A = arith.constant 0 : index
    %get3A_4 = arith.constant 0 : index
    %get3A_5 = vector.load %arg6[%get3A, %get3A_4] : memref<64x1xf32, #tpu.memory_space<vmem>>, vector<64x1xf32>
    %mul3A = arith.constant 5.000000e-01 : f32
    %mul3A_6 = vector.broadcast %mul3A : f32 to vector<64x1xf32>
    %mul3A_7 = arith.mulf %mul3A_6, %get3A_5 : vector<64x1xf32>
    %ceil3A = math.ceil %mul3A_7 : vector<64x1xf32>
    %iota3A = tpu.iota {dimensions = array<i32: 0>} : vector<64x1xi32>
    %convert_element_type3A = arith.sitofp %iota3A : vector<64x1xi32> to vector<64x1xf32>
    %iota3A_8 = tpu.iota {dimensions = array<i32: 1>} : vector<1x128xi32>
    %convert_element_type3A_9 = arith.sitofp %iota3A_8 : vector<1x128xi32> to vector<1x128xf32>
    %iota3A_10 = tpu.iota {dimensions = array<i32: 0>} : vector<128x1xi32>
    %convert_element_type3A_11 = arith.sitofp %iota3A_10 : vector<128x1xi32> to vector<128x1xf32>
    %broadcast_in_dim3A = arith.constant 0.000000e+00 : f32
    %broadcast_in_dim3A_12 = vector.broadcast %broadcast_in_dim3A : f32 to vector<64x1xf32>
    %scan3A_13 = arith.constant 0 : i32
    %scan3A_14 = arith.constant 80 : i32
    %scan3A_15 = arith.addi %scan3A_13, %scan3A_14 : i32
    %scan3A_16 = arith.constant 1 : i32
    %scan3A_17 = scf.for %scan3A_21 = %scan3A_13 to %scan3A_15 step %scan3A_16 iter_args(%scan3A_22 = %broadcast_in_dim3A_12) -> (vector<64x1xf32>)  : i32 {
      %get3A_23 = arith.index_cast %scan3A_21 : i32 to index
      %get3A_24 = arith.constant 0 : index
      %get3A_25 = vector.load %arg18[%get3A_23, %get3A_24] : memref<80x128xf32, #tpu.memory_space<vmem>>, vector<1x128xf32>
      %get3A_26 = arith.index_cast %scan3A_21 : i32 to index
      %get3A_27 = arith.constant 0 : index
      %get3A_28 = vector.load %arg2[%get3A_26, %get3A_27] : memref<80x128xf32, #tpu.memory_space<vmem>>, vector<1x128xf32>
      %get3A_29 = arith.index_cast %scan3A_21 : i32 to index
      %get3A_30 = arith.constant 0 : index
      %get3A_31 = vector.load %arg4[%get3A_29, %get3A_30] : memref<80x128xf32, #tpu.memory_space<vmem>>, vector<1x128xf32>
      %mul3A_32 = arith.constant 128 : i32
      %mul3A_33 = arith.muli %scan3A_21, %mul3A_32 : i32
      %convert_element_type3A_34 = arith.sitofp %mul3A_33 : i32 to f32
      %add3A = vector.broadcast %convert_element_type3A_34 : f32 to vector<1x128xf32>
      %add3A_35 = arith.addf %add3A, %convert_element_type3A_9 : vector<1x128xf32>
      %get3A_36 = arith.index_cast %scan3A_21 : i32 to index
      %get3A_37 = memref.load %arg8[%get3A_36] : memref<80xi32, #tpu.memory_space<smem>>
      %get3A_38 = arith.index_cast %scan3A_21 : i32 to index
      %get3A_39 = memref.load %arg9[%get3A_38] : memref<80xi32, #tpu.memory_space<smem>>
      %add3A_40 = arith.constant 1 : i32
      %add3A_41 = arith.addi %get3A_39, %add3A_40 : i32
      %broadcast_in_dim3A_42 = arith.constant 0.000000e+00 : f32
      %broadcast_in_dim3A_43 = vector.broadcast %broadcast_in_dim3A_42 : f32 to vector<1x128xf32>
      %while3A = arith.subi %add3A_41, %get3A_37 : i32
      %while3A_44 = arith.addi %get3A_37, %while3A : i32
      %while3A_45 = arith.constant 1 : i32
      %while3A_46 = arith.divsi %while3A, %while3A_45 : i32
      %while3A_47 = arith.muli %while3A_46, %while3A_45 : i32
      %while3A_48 = arith.addi %get3A_37, %while3A_47 : i32
      %while3A_49 = arith.constant 1 : i32
      %while3A_50 = scf.for %while3A_97 = %get3A_37 to %while3A_48 step %while3A_49 iter_args(%while3A_98 = %broadcast_in_dim3A_43) -> (vector<1x128xf32>)  : i32 {
        %mul3A_99 = arith.constant 128 : i32
        %mul3A_100 = arith.muli %while3A_97, %mul3A_99 : i32
        %get3A_101 = arith.index_cast %mul3A_100 : i32 to index
        %get3A_102 = arith.constant 0 : index
        %get3A_103 = vector.load %arg15[%get3A_101, %get3A_102] : memref<10240x1xf32, #tpu.memory_space<vmem>>, vector<128x1xf32>
        %get3A_104 = arith.index_cast %mul3A_100 : i32 to index
        %get3A_105 = arith.constant 0 : index
        %get3A_106 = vector.load %arg16[%get3A_104, %get3A_105] : memref<10240x1xf32, #tpu.memory_space<vmem>>, vector<128x1xf32>
        %get3A_107 = arith.index_cast %mul3A_100 : i32 to index
        %get3A_108 = arith.constant 0 : index
        %get3A_109 = vector.load %arg17[%get3A_107, %get3A_108] : memref<10240x1xf32, #tpu.memory_space<vmem>>, vector<128x1xf32>
        %mul3A_110 = arith.constant 128 : i32
        %mul3A_111 = arith.muli %while3A_97, %mul3A_110 : i32
        %convert_element_type3A_112 = arith.sitofp %mul3A_111 : i32 to f32
        %add3A_113 = vector.broadcast %convert_element_type3A_112 : f32 to vector<128x1xf32>
        %add3A_114 = arith.addf %add3A_113, %convert_element_type3A_11 : vector<128x1xf32>
        %eq3A_115 = vector.broadcast %get3A_109 : vector<128x1xf32> to vector<128x128xf32>
        %eq3A_116 = vector.broadcast %get3A_31 : vector<1x128xf32> to vector<128x128xf32>
        %eq3A_117 = arith.cmpf oeq, %eq3A_115, %eq3A_116 : vector<128x128xf32>
        %gt3A_118 = vector.broadcast %get3A_103 : vector<128x1xf32> to vector<128x128xf32>
        %gt3A_119 = vector.broadcast %get3A_25 : vector<1x128xf32> to vector<128x128xf32>
        %gt3A_120 = arith.cmpf ogt, %gt3A_118, %gt3A_119 : vector<128x128xf32>
        %eq3A_121 = vector.broadcast %get3A_103 : vector<128x1xf32> to vector<128x128xf32>
        %eq3A_122 = vector.broadcast %get3A_25 : vector<1x128xf32> to vector<128x128xf32>
        %eq3A_123 = arith.cmpf oeq, %eq3A_121, %eq3A_122 : vector<128x128xf32>
        %gt3A_124 = vector.broadcast %get3A_106 : vector<128x1xf32> to vector<128x128xf32>
        %gt3A_125 = vector.broadcast %get3A_28 : vector<1x128xf32> to vector<128x128xf32>
        %gt3A_126 = arith.cmpf ogt, %gt3A_124, %gt3A_125 : vector<128x128xf32>
        %eq3A_127 = vector.broadcast %get3A_106 : vector<128x1xf32> to vector<128x128xf32>
        %eq3A_128 = vector.broadcast %get3A_28 : vector<1x128xf32> to vector<128x128xf32>
        %eq3A_129 = arith.cmpf oeq, %eq3A_127, %eq3A_128 : vector<128x128xf32>
        %lt3A_130 = vector.broadcast %add3A_114 : vector<128x1xf32> to vector<128x128xf32>
        %lt3A_131 = vector.broadcast %add3A_35 : vector<1x128xf32> to vector<128x128xf32>
        %lt3A_132 = arith.cmpf olt, %lt3A_130, %lt3A_131 : vector<128x128xf32>
        %and3A_133 = arith.andi %eq3A_129, %lt3A_132 : vector<128x128xi1>
        %or3A = arith.ori %gt3A_126, %and3A_133 : vector<128x128xi1>
        %and3A_134 = arith.andi %eq3A_123, %or3A : vector<128x128xi1>
        %or3A_135 = arith.ori %gt3A_120, %and3A_134 : vector<128x128xi1>
        %and3A_136 = arith.andi %eq3A_117, %or3A_135 : vector<128x128xi1>
        %jit3A_137 = arith.constant 1.000000e+00 : f32
        %jit3A_138 = arith.constant 0.000000e+00 : f32
        %broadcast_in_dim3A_139 = vector.broadcast %jit3A_137 : f32 to vector<128x128xf32>
        %broadcast_in_dim3A_140 = vector.broadcast %jit3A_138 : f32 to vector<128x128xf32>
        %select_n3A_141 = arith.select %and3A_136, %broadcast_in_dim3A_139, %broadcast_in_dim3A_140 : vector<128x128xi1>, vector<128x128xf32>
        %reduce_sum3A_142 = arith.constant dense<0.000000e+00> : vector<128xf32>
        %reduce_sum3A_143 = vector.multi_reduction <add>, %select_n3A_141, %reduce_sum3A_142 [0] : vector<128x128xf32> to vector<128xf32>
        %broadcast_in_dim3A_144 = vector.shape_cast %reduce_sum3A_143 : vector<128xf32> to vector<1x128xf32>
        %add3A_145 = arith.addf %while3A_98, %broadcast_in_dim3A_144 : vector<1x128xf32>
        scf.yield %add3A_145 : vector<1x128xf32>
      }
      %while3A_51 = arith.constant 1 : i32
      %while3A_52 = scf.for %while3A_97 = %while3A_48 to %while3A_44 step %while3A_51 iter_args(%while3A_98 = %while3A_50) -> (vector<1x128xf32>)  : i32 {
        %mul3A_99 = arith.constant 128 : i32
        %mul3A_100 = arith.muli %while3A_97, %mul3A_99 : i32
        %get3A_101 = arith.index_cast %mul3A_100 : i32 to index
        %get3A_102 = arith.constant 0 : index
        %get3A_103 = vector.load %arg15[%get3A_101, %get3A_102] : memref<10240x1xf32, #tpu.memory_space<vmem>>, vector<128x1xf32>
        %get3A_104 = arith.index_cast %mul3A_100 : i32 to index
        %get3A_105 = arith.constant 0 : index
        %get3A_106 = vector.load %arg16[%get3A_104, %get3A_105] : memref<10240x1xf32, #tpu.memory_space<vmem>>, vector<128x1xf32>
        %get3A_107 = arith.index_cast %mul3A_100 : i32 to index
        %get3A_108 = arith.constant 0 : index
        %get3A_109 = vector.load %arg17[%get3A_107, %get3A_108] : memref<10240x1xf32, #tpu.memory_space<vmem>>, vector<128x1xf32>
        %mul3A_110 = arith.constant 128 : i32
        %mul3A_111 = arith.muli %while3A_97, %mul3A_110 : i32
        %convert_element_type3A_112 = arith.sitofp %mul3A_111 : i32 to f32
        %add3A_113 = vector.broadcast %convert_element_type3A_112 : f32 to vector<128x1xf32>
        %add3A_114 = arith.addf %add3A_113, %convert_element_type3A_11 : vector<128x1xf32>
        %eq3A_115 = vector.broadcast %get3A_109 : vector<128x1xf32> to vector<128x128xf32>
        %eq3A_116 = vector.broadcast %get3A_31 : vector<1x128xf32> to vector<128x128xf32>
        %eq3A_117 = arith.cmpf oeq, %eq3A_115, %eq3A_116 : vector<128x128xf32>
        %gt3A_118 = vector.broadcast %get3A_103 : vector<128x1xf32> to vector<128x128xf32>
        %gt3A_119 = vector.broadcast %get3A_25 : vector<1x128xf32> to vector<128x128xf32>
        %gt3A_120 = arith.cmpf ogt, %gt3A_118, %gt3A_119 : vector<128x128xf32>
        %eq3A_121 = vector.broadcast %get3A_103 : vector<128x1xf32> to vector<128x128xf32>
        %eq3A_122 = vector.broadcast %get3A_25 : vector<1x128xf32> to vector<128x128xf32>
        %eq3A_123 = arith.cmpf oeq, %eq3A_121, %eq3A_122 : vector<128x128xf32>
        %gt3A_124 = vector.broadcast %get3A_106 : vector<128x1xf32> to vector<128x128xf32>
        %gt3A_125 = vector.broadcast %get3A_28 : vector<1x128xf32> to vector<128x128xf32>
        %gt3A_126 = arith.cmpf ogt, %gt3A_124, %gt3A_125 : vector<128x128xf32>
        %eq3A_127 = vector.broadcast %get3A_106 : vector<128x1xf32> to vector<128x128xf32>
        %eq3A_128 = vector.broadcast %get3A_28 : vector<1x128xf32> to vector<128x128xf32>
        %eq3A_129 = arith.cmpf oeq, %eq3A_127, %eq3A_128 : vector<128x128xf32>
        %lt3A_130 = vector.broadcast %add3A_114 : vector<128x1xf32> to vector<128x128xf32>
        %lt3A_131 = vector.broadcast %add3A_35 : vector<1x128xf32> to vector<128x128xf32>
        %lt3A_132 = arith.cmpf olt, %lt3A_130, %lt3A_131 : vector<128x128xf32>
        %and3A_133 = arith.andi %eq3A_129, %lt3A_132 : vector<128x128xi1>
        %or3A = arith.ori %gt3A_126, %and3A_133 : vector<128x128xi1>
        %and3A_134 = arith.andi %eq3A_123, %or3A : vector<128x128xi1>
        %or3A_135 = arith.ori %gt3A_120, %and3A_134 : vector<128x128xi1>
        %and3A_136 = arith.andi %eq3A_117, %or3A_135 : vector<128x128xi1>
        %jit3A_137 = arith.constant 1.000000e+00 : f32
        %jit3A_138 = arith.constant 0.000000e+00 : f32
        %broadcast_in_dim3A_139 = vector.broadcast %jit3A_137 : f32 to vector<128x128xf32>
        %broadcast_in_dim3A_140 = vector.broadcast %jit3A_138 : f32 to vector<128x128xf32>
        %select_n3A_141 = arith.select %and3A_136, %broadcast_in_dim3A_139, %broadcast_in_dim3A_140 : vector<128x128xi1>, vector<128x128xf32>
        %reduce_sum3A_142 = arith.constant dense<0.000000e+00> : vector<128xf32>
        %reduce_sum3A_143 = vector.multi_reduction <add>, %select_n3A_141, %reduce_sum3A_142 [0] : vector<128x128xf32> to vector<128xf32>
        %broadcast_in_dim3A_144 = vector.shape_cast %reduce_sum3A_143 : vector<128xf32> to vector<1x128xf32>
        %add3A_145 = arith.addf %while3A_98, %broadcast_in_dim3A_144 : vector<1x128xf32>
        scf.yield %add3A_145 : vector<1x128xf32>
      }
      %eq3A = vector.broadcast %convert_element_type3A : vector<64x1xf32> to vector<64x128xf32>
      %eq3A_53 = vector.broadcast %get3A_31 : vector<1x128xf32> to vector<64x128xf32>
      %eq3A_54 = arith.cmpf oeq, %eq3A, %eq3A_53 : vector<64x128xf32>
      %jit3A = arith.constant 0.000000e+00 : f32
      %broadcast_in_dim3A_55 = vector.shape_cast %ceil3A : vector<64x1xf32> to vector<64x1xf32>
      %broadcast_in_dim3A_56 = vector.broadcast %broadcast_in_dim3A_55 : vector<64x1xf32> to vector<64x128xf32>
      %broadcast_in_dim3A_57 = vector.broadcast %jit3A : f32 to vector<64x128xf32>
      %select_n3A = arith.select %eq3A_54, %broadcast_in_dim3A_56, %broadcast_in_dim3A_57 : vector<64x128xi1>, vector<64x128xf32>
      %reduce_sum3A = arith.constant dense<0.000000e+00> : vector<128xf32>
      %reduce_sum3A_58 = vector.multi_reduction <add>, %select_n3A, %reduce_sum3A [0] : vector<64x128xf32> to vector<128xf32>
      %broadcast_in_dim3A_59 = vector.shape_cast %reduce_sum3A_58 : vector<128xf32> to vector<1x128xf32>
      %get3A_60 = arith.index_cast %scan3A_21 : i32 to index
      %get3A_61 = arith.constant 0 : index
      %get3A_62 = vector.load %arg3[%get3A_60, %get3A_61] : memref<80x128xf32, #tpu.memory_space<vmem>>, vector<1x128xf32>
      %gt3A = arith.constant 0.000000e+00 : f32
      %gt3A_63 = vector.broadcast %gt3A : f32 to vector<1x128xf32>
      %gt3A_64 = arith.cmpf ogt, %get3A_62, %gt3A_63 : vector<1x128xf32>
      %lt3A = arith.cmpf olt, %while3A_52, %broadcast_in_dim3A_59 : vector<1x128xf32>
      %and3A = arith.andi %gt3A_64, %lt3A : vector<1x128xi1>
      %jit3A_65 = arith.constant 1.000000e+00 : f32
      %jit3A_66 = arith.constant 0.000000e+00 : f32
      %broadcast_in_dim3A_67 = vector.broadcast %jit3A_65 : f32 to vector<1x128xf32>
      %broadcast_in_dim3A_68 = vector.broadcast %jit3A_66 : f32 to vector<1x128xf32>
      %select_n3A_69 = arith.select %and3A, %broadcast_in_dim3A_67, %broadcast_in_dim3A_68 : vector<1x128xi1>, vector<1x128xf32>
      %swap3A_70 = arith.index_cast %scan3A_21 : i32 to index
      %swap3A_71 = arith.constant 0 : index
      %swap3A_72 = vector.load %arg11[%swap3A_70, %swap3A_71] : memref<80x128xf32, #tpu.memory_space<vmem>>, vector<1x128xf32>
      tpu.vector_store %arg11[%swap3A_70, %swap3A_71], %select_n3A_69 {strides = array<i32>} : memref<80x128xf32, #tpu.memory_space<vmem>>, vector<1x128xf32>,
      %tanh3A = math.tanh %get3A_25 : vector<1x128xf32>
      %get3A_73 = arith.index_cast %scan3A_21 : i32 to index
      %get3A_74 = arith.constant 0 : index
      %get3A_75 = vector.load %arg5[%get3A_73, %get3A_74] : memref<80x128xf32, #tpu.memory_space<vmem>>, vector<1x128xf32>
      %mul3A_76 = arith.mulf %tanh3A, %get3A_75 : vector<1x128xf32>
      %get3A_77 = arith.constant 0 : index
      %get3A_78 = memref.load %arg7[%get3A_77] : memref<1xf32, #tpu.memory_space<smem>>
      %add3A_79 = vector.broadcast %get3A_78 : f32 to vector<1x128xf32>
      %add3A_80 = arith.addf %mul3A_76, %add3A_79 : vector<1x128xf32>
      %mul3A_81 = arith.mulf %select_n3A_69, %add3A_80 : vector<1x128xf32>
      %swap3A_82 = arith.index_cast %scan3A_21 : i32 to index
      %swap3A_83 = arith.constant 0 : index
      %swap3A_84 = vector.load %arg12[%swap3A_82, %swap3A_83] : memref<80x128xf32, #tpu.memory_space<vmem>>, vector<1x128xf32>
      tpu.vector_store %arg12[%swap3A_82, %swap3A_83], %mul3A_81 {strides = array<i32>} : memref<80x128xf32, #tpu.memory_space<vmem>>, vector<1x128xf32>,
      %swap3A_85 = arith.index_cast %scan3A_21 : i32 to index
      %swap3A_86 = arith.constant 0 : index
      %swap3A_87 = vector.load %arg13[%swap3A_85, %swap3A_86] : memref<80x128xf32, #tpu.memory_space<vmem>>, vector<1x128xf32>
      tpu.vector_store %arg13[%swap3A_85, %swap3A_86], %select_n3A_69 {strides = array<i32>} : memref<80x128xf32, #tpu.memory_space<vmem>>, vector<1x128xf32>,
      %jit3A_88 = arith.constant 0.000000e+00 : f32
      %broadcast_in_dim3A_89 = vector.shape_cast %select_n3A_69 : vector<1x128xf32> to vector<1x128xf32>
      %broadcast_in_dim3A_90 = vector.broadcast %broadcast_in_dim3A_89 : vector<1x128xf32> to vector<64x128xf32>
      %broadcast_in_dim3A_91 = vector.broadcast %jit3A_88 : f32 to vector<64x128xf32>
      %select_n3A_92 = arith.select %eq3A_54, %broadcast_in_dim3A_90, %broadcast_in_dim3A_91 : vector<64x128xi1>, vector<64x128xf32>
      %reduce_sum3A_93 = arith.constant dense<0.000000e+00> : vector<64xf32>
      %reduce_sum3A_94 = vector.multi_reduction <add>, %select_n3A_92, %reduce_sum3A_93 [1] : vector<64x128xf32> to vector<64xf32>
      %broadcast_in_dim3A_95 = vector.shape_cast %reduce_sum3A_94 : vector<64xf32> to vector<64x1xf32>
      %add3A_96 = arith.addf %scan3A_22, %broadcast_in_dim3A_95 : vector<64x1xf32>
      scf.yield %add3A_96 : vector<64x1xf32>
    }
    %scan3A_18 = arith.constant 80 : i32
    %swap3A = arith.constant 0 : index
    %swap3A_19 = arith.constant 0 : index
    %swap3A_20 = vector.load %arg14[%swap3A, %swap3A_19] : memref<64x1xf32, #tpu.memory_space<vmem>>, vector<64x1xf32>
    tpu.vector_store %arg14[%swap3A, %swap3A_19], %scan3A_17 {strides = array<i32>} : memref<64x1xf32, #tpu.memory_space<vmem>>, vector<64x1xf32>,
    return
  }
}

module attributes {stable_mosaic.version = 14 : i64} {
  func.func @_f_body(%arg0: i32, %arg1: memref<1280x128xf32, #tpu.memory_space<vmem>>, %arg2: memref<80x128xf32, #tpu.memory_space<vmem>>, %arg3: memref<80x128xf32, #tpu.memory_space<vmem>>, %arg4: memref<80x128xf32, #tpu.memory_space<vmem>>, %arg5: memref<80x128xf32, #tpu.memory_space<vmem>>, %arg6: memref<80x128xf32, #tpu.memory_space<vmem>>, %arg7: memref<64x1xf32, #tpu.memory_space<vmem>>, %arg8: memref<64x1xf32, #tpu.memory_space<vmem>>, %arg9: memref<64x1xf32, #tpu.memory_space<vmem>>, %arg10: memref<64x128xf32, #tpu.memory_space<vmem>>, %arg11: memref<64x128xf32, #tpu.memory_space<vmem>>) attributes {dimension_semantics = [#tpu.dimension_semantics<arbitrary>], iteration_bounds = array<i64: 8>, scalar_prefetch = 0 : i64, scratch_operands = 1 : i64, tpu.core_type = #tpu.core_type<tc>, window_params = [{transform_indices = @transform_0, window_bounds = array<i64: 1280, 128>}, {pipeline_mode = #tpu.pipeline_mode<synchronous>, transform_indices = @transform_1, window_bounds = array<i64: 80, 128>}, {pipeline_mode = #tpu.pipeline_mode<synchronous>, transform_indices = @transform_2, window_bounds = array<i64: 80, 128>}, {pipeline_mode = #tpu.pipeline_mode<synchronous>, transform_indices = @transform_3, window_bounds = array<i64: 80, 128>}, {pipeline_mode = #tpu.pipeline_mode<synchronous>, transform_indices = @transform_4, window_bounds = array<i64: 80, 128>}, {pipeline_mode = #tpu.pipeline_mode<synchronous>, transform_indices = @transform_5, window_bounds = array<i64: 80, 128>}, {pipeline_mode = #tpu.pipeline_mode<synchronous>, transform_indices = @transform_6, window_bounds = array<i64: 64, 1>}, {pipeline_mode = #tpu.pipeline_mode<synchronous>, transform_indices = @transform_7, window_bounds = array<i64: 64, 1>}, {pipeline_mode = #tpu.pipeline_mode<synchronous>, transform_indices = @transform_8, window_bounds = array<i64: 64, 1>}, {pipeline_mode = #tpu.pipeline_mode<synchronous>, transform_indices = @transform_9, window_bounds = array<i64: 64, 128>}]} {
    %eq3A = arith.constant 0 : i32
    %eq3A_0 = arith.cmpi eq, %arg0, %eq3A : i32
    %convert_element_type3A = arith.extui %eq3A_0 : i1 to i32
    %cond3A = arith.constant 0 : i32
    %cond3A_1 = arith.cmpi ne, %convert_element_type3A, %cond3A : i32
    scf.if %cond3A_1 {
      %broadcast_in_dim3A_480 = arith.constant 0.000000e+00 : f32
      %broadcast_in_dim3A_481 = vector.broadcast %broadcast_in_dim3A_480 : f32 to vector<64x128xf32>
      %swap3A_482 = arith.constant 0 : index
      %swap3A_483 = arith.constant 0 : index
      %swap3A_484 = vector.load %arg11[%swap3A_482, %swap3A_483] : memref<64x128xf32, #tpu.memory_space<vmem>>, vector<64x128xf32>
      tpu.vector_store %arg11[%swap3A_482, %swap3A_483], %broadcast_in_dim3A_481 {strides = array<i32>} : memref<64x128xf32, #tpu.memory_space<vmem>>, vector<64x128xf32>,
    } else {
    }
    %get3A = arith.constant 0 : index
    %get3A_2 = arith.constant 0 : index
    %get3A_3 = vector.load %arg7[%get3A, %get3A_2] : memref<64x1xf32, #tpu.memory_space<vmem>>, vector<64x1xf32>
    %max3A = arith.constant 1.000000e+00 : f32
    %max3A_4 = vector.broadcast %max3A : f32 to vector<64x1xf32>
    %max3A_5 = arith.maximumf %get3A_3, %max3A_4 : vector<64x1xf32>
    %div3A = arith.constant 1.000000e+00 : f32
    %div3A_6 = vector.broadcast %div3A : f32 to vector<64x1xf32>
    %div3A_7 = arith.divf %div3A_6, %max3A_5 : vector<64x1xf32>
    %get3A_8 = arith.constant 0 : index
    %get3A_9 = arith.constant 0 : index
    %get3A_10 = vector.load %arg8[%get3A_8, %get3A_9] : memref<64x1xf32, #tpu.memory_space<vmem>>, vector<64x1xf32>
    %max3A_11 = arith.constant 1.000000e+00 : f32
    %max3A_12 = vector.broadcast %max3A_11 : f32 to vector<64x1xf32>
    %max3A_13 = arith.maximumf %get3A_10, %max3A_12 : vector<64x1xf32>
    %div3A_14 = arith.constant 1.000000e+00 : f32
    %div3A_15 = vector.broadcast %div3A_14 : f32 to vector<64x1xf32>
    %div3A_16 = arith.divf %div3A_15, %max3A_13 : vector<64x1xf32>
    %get3A_17 = arith.constant 0 : index
    %get3A_18 = arith.constant 0 : index
    %get3A_19 = vector.load %arg9[%get3A_17, %get3A_18] : memref<64x1xf32, #tpu.memory_space<vmem>>, vector<64x1xf32>
    %max3A_20 = arith.constant 1.000000e+00 : f32
    %max3A_21 = vector.broadcast %max3A_20 : f32 to vector<64x1xf32>
    %max3A_22 = arith.maximumf %get3A_19, %max3A_21 : vector<64x1xf32>
    %div3A_23 = arith.constant 1.000000e+00 : f32
    %div3A_24 = vector.broadcast %div3A_23 : f32 to vector<64x1xf32>
    %div3A_25 = arith.divf %div3A_24, %max3A_22 : vector<64x1xf32>
    %iota3A = tpu.iota {dimensions = array<i32: 0>} : vector<64x1xi32>
    %convert_element_type3A_26 = arith.sitofp %iota3A : vector<64x1xi32> to vector<64x1xf32>
    %get3A_27 = arith.constant 0 : index
    %get3A_28 = arith.constant 0 : index
    %get3A_29 = vector.load %arg11[%get3A_27, %get3A_28] : memref<64x128xf32, #tpu.memory_space<vmem>>, vector<64x128xf32>
    %mul3A = arith.constant 10 : i32
    %mul3A_30 = arith.muli %arg0, %mul3A : i32
    %add3A = arith.constant 0 : i32
    %add3A_31 = arith.addi %mul3A_30, %add3A : i32
    %get3A_32 = arith.index_cast %add3A_31 : i32 to index
    %get3A_33 = arith.constant 0 : index
    %get3A_34 = vector.load %arg3[%get3A_32, %get3A_33] : memref<80x128xf32, #tpu.memory_space<vmem>>, vector<1x128xf32>
    %tanh3A = math.tanh %get3A_34 : vector<1x128xf32>
    %get3A_35 = arith.index_cast %add3A_31 : i32 to index
    %get3A_36 = arith.constant 0 : index
    %get3A_37 = vector.load %arg4[%get3A_35, %get3A_36] : memref<80x128xf32, #tpu.memory_space<vmem>>, vector<1x128xf32>
    %tanh3A_38 = math.tanh %get3A_37 : vector<1x128xf32>
    %get3A_39 = arith.index_cast %add3A_31 : i32 to index
    %get3A_40 = arith.constant 0 : index
    %get3A_41 = vector.load %arg2[%get3A_39, %get3A_40] : memref<80x128xf32, #tpu.memory_space<vmem>>, vector<1x128xf32>
    %eq3A_42 = vector.broadcast %convert_element_type3A_26 : vector<64x1xf32> to vector<64x128xf32>
    %eq3A_43 = vector.broadcast %get3A_41 : vector<1x128xf32> to vector<64x128xf32>
    %eq3A_44 = arith.cmpf oeq, %eq3A_42, %eq3A_43 : vector<64x128xf32>
    %get3A_45 = arith.index_cast %add3A_31 : i32 to index
    %get3A_46 = arith.constant 0 : index
    %get3A_47 = vector.load %arg5[%get3A_45, %get3A_46] : memref<80x128xf32, #tpu.memory_space<vmem>>, vector<1x128xf32>
    %mul3A_48 = arith.mulf %get3A_47, %tanh3A : vector<1x128xf32>
    %get3A_49 = arith.index_cast %add3A_31 : i32 to index
    %get3A_50 = arith.constant 0 : index
    %get3A_51 = vector.load %arg6[%get3A_49, %get3A_50] : memref<80x128xf32, #tpu.memory_space<vmem>>, vector<1x128xf32>
    %mul3A_52 = arith.mulf %get3A_51, %tanh3A : vector<1x128xf32>
    %mul3A_53 = arith.mulf %mul3A_52, %tanh3A_38 : vector<1x128xf32>
    %mul3A_54 = vector.broadcast %mul3A_48 : vector<1x128xf32> to vector<64x128xf32>
    %mul3A_55 = vector.broadcast %div3A_16 : vector<64x1xf32> to vector<64x128xf32>
    %mul3A_56 = arith.mulf %mul3A_54, %mul3A_55 : vector<64x128xf32>
    %add3A_57 = vector.broadcast %div3A_7 : vector<64x1xf32> to vector<64x128xf32>
    %add3A_58 = arith.addf %add3A_57, %mul3A_56 : vector<64x128xf32>
    %mul3A_59 = vector.broadcast %mul3A_53 : vector<1x128xf32> to vector<64x128xf32>
    %mul3A_60 = vector.broadcast %div3A_25 : vector<64x1xf32> to vector<64x128xf32>
    %mul3A_61 = arith.mulf %mul3A_59, %mul3A_60 : vector<64x128xf32>
    %add3A_62 = arith.addf %add3A_58, %mul3A_61 : vector<64x128xf32>
    %jit3A = arith.constant 0.000000e+00 : f32
    %broadcast_in_dim3A = vector.broadcast %jit3A : f32 to vector<64x128xf32>
    %select_n3A = arith.select %eq3A_44, %add3A_62, %broadcast_in_dim3A : vector<64x128xi1>, vector<64x128xf32>
    %get3A_63 = arith.constant 0 : index
    %get3A_64 = arith.constant 0 : index
    %get3A_65 = vector.load %arg1[%get3A_63, %get3A_64] : memref<1280x128xf32, #tpu.memory_space<vmem>>, vector<128x128xf32>
    %dot_general3A = arith.constant dense<0.000000e+00> : vector<64x128xf32>
    %dot_general3A_66 = tpu.matmul %select_n3A, %get3A_65, %dot_general3A {dimension_numbers = #tpu.dot_dimension_numbers<[1], [0], [0], [1], [0, 0, 1, 1], [], []>, transpose_lhs_hint = false} : vector<64x128xf32>, vector<128x128xf32>, vector<64x128xf32> -> vector<64x128xf32>
    %add3A_67 = arith.addf %get3A_29, %dot_general3A_66 : vector<64x128xf32>
    %mul3A_68 = arith.constant 10 : i32
    %mul3A_69 = arith.muli %arg0, %mul3A_68 : i32
    %add3A_70 = arith.constant 1 : i32
    %add3A_71 = arith.addi %mul3A_69, %add3A_70 : i32
    %get3A_72 = arith.index_cast %add3A_71 : i32 to index
    %get3A_73 = arith.constant 0 : index
    %get3A_74 = vector.load %arg3[%get3A_72, %get3A_73] : memref<80x128xf32, #tpu.memory_space<vmem>>, vector<1x128xf32>
    %tanh3A_75 = math.tanh %get3A_74 : vector<1x128xf32>
    %get3A_76 = arith.index_cast %add3A_71 : i32 to index
    %get3A_77 = arith.constant 0 : index
    %get3A_78 = vector.load %arg4[%get3A_76, %get3A_77] : memref<80x128xf32, #tpu.memory_space<vmem>>, vector<1x128xf32>
    %tanh3A_79 = math.tanh %get3A_78 : vector<1x128xf32>
    %get3A_80 = arith.index_cast %add3A_71 : i32 to index
    %get3A_81 = arith.constant 0 : index
    %get3A_82 = vector.load %arg2[%get3A_80, %get3A_81] : memref<80x128xf32, #tpu.memory_space<vmem>>, vector<1x128xf32>
    %eq3A_83 = vector.broadcast %convert_element_type3A_26 : vector<64x1xf32> to vector<64x128xf32>
    %eq3A_84 = vector.broadcast %get3A_82 : vector<1x128xf32> to vector<64x128xf32>
    %eq3A_85 = arith.cmpf oeq, %eq3A_83, %eq3A_84 : vector<64x128xf32>
    %get3A_86 = arith.index_cast %add3A_71 : i32 to index
    %get3A_87 = arith.constant 0 : index
    %get3A_88 = vector.load %arg5[%get3A_86, %get3A_87] : memref<80x128xf32, #tpu.memory_space<vmem>>, vector<1x128xf32>
    %mul3A_89 = arith.mulf %get3A_88, %tanh3A_75 : vector<1x128xf32>
    %get3A_90 = arith.index_cast %add3A_71 : i32 to index
    %get3A_91 = arith.constant 0 : index
    %get3A_92 = vector.load %arg6[%get3A_90, %get3A_91] : memref<80x128xf32, #tpu.memory_space<vmem>>, vector<1x128xf32>
    %mul3A_93 = arith.mulf %get3A_92, %tanh3A_75 : vector<1x128xf32>
    %mul3A_94 = arith.mulf %mul3A_93, %tanh3A_79 : vector<1x128xf32>
    %mul3A_95 = vector.broadcast %mul3A_89 : vector<1x128xf32> to vector<64x128xf32>
    %mul3A_96 = vector.broadcast %div3A_16 : vector<64x1xf32> to vector<64x128xf32>
    %mul3A_97 = arith.mulf %mul3A_95, %mul3A_96 : vector<64x128xf32>
    %add3A_98 = vector.broadcast %div3A_7 : vector<64x1xf32> to vector<64x128xf32>
    %add3A_99 = arith.addf %add3A_98, %mul3A_97 : vector<64x128xf32>
    %mul3A_100 = vector.broadcast %mul3A_94 : vector<1x128xf32> to vector<64x128xf32>
    %mul3A_101 = vector.broadcast %div3A_25 : vector<64x1xf32> to vector<64x128xf32>
    %mul3A_102 = arith.mulf %mul3A_100, %mul3A_101 : vector<64x128xf32>
    %add3A_103 = arith.addf %add3A_99, %mul3A_102 : vector<64x128xf32>
    %jit3A_104 = arith.constant 0.000000e+00 : f32
    %broadcast_in_dim3A_105 = vector.broadcast %jit3A_104 : f32 to vector<64x128xf32>
    %select_n3A_106 = arith.select %eq3A_85, %add3A_103, %broadcast_in_dim3A_105 : vector<64x128xi1>, vector<64x128xf32>
    %get3A_107 = arith.constant 128 : index
    %get3A_108 = arith.constant 0 : index
    %get3A_109 = vector.load %arg1[%get3A_107, %get3A_108] : memref<1280x128xf32, #tpu.memory_space<vmem>>, vector<128x128xf32>
    %dot_general3A_110 = arith.constant dense<0.000000e+00> : vector<64x128xf32>
    %dot_general3A_111 = tpu.matmul %select_n3A_106, %get3A_109, %dot_general3A_110 {dimension_numbers = #tpu.dot_dimension_numbers<[1], [0], [0], [1], [0, 0, 1, 1], [], []>, transpose_lhs_hint = false} : vector<64x128xf32>, vector<128x128xf32>, vector<64x128xf32> -> vector<64x128xf32>
    %add3A_112 = arith.addf %add3A_67, %dot_general3A_111 : vector<64x128xf32>
    %mul3A_113 = arith.constant 10 : i32
    %mul3A_114 = arith.muli %arg0, %mul3A_113 : i32
    %add3A_115 = arith.constant 2 : i32
    %add3A_116 = arith.addi %mul3A_114, %add3A_115 : i32
    %get3A_117 = arith.index_cast %add3A_116 : i32 to index
    %get3A_118 = arith.constant 0 : index
    %get3A_119 = vector.load %arg3[%get3A_117, %get3A_118] : memref<80x128xf32, #tpu.memory_space<vmem>>, vector<1x128xf32>
    %tanh3A_120 = math.tanh %get3A_119 : vector<1x128xf32>
    %get3A_121 = arith.index_cast %add3A_116 : i32 to index
    %get3A_122 = arith.constant 0 : index
    %get3A_123 = vector.load %arg4[%get3A_121, %get3A_122] : memref<80x128xf32, #tpu.memory_space<vmem>>, vector<1x128xf32>
    %tanh3A_124 = math.tanh %get3A_123 : vector<1x128xf32>
    %get3A_125 = arith.index_cast %add3A_116 : i32 to index
    %get3A_126 = arith.constant 0 : index
    %get3A_127 = vector.load %arg2[%get3A_125, %get3A_126] : memref<80x128xf32, #tpu.memory_space<vmem>>, vector<1x128xf32>
    %eq3A_128 = vector.broadcast %convert_element_type3A_26 : vector<64x1xf32> to vector<64x128xf32>
    %eq3A_129 = vector.broadcast %get3A_127 : vector<1x128xf32> to vector<64x128xf32>
    %eq3A_130 = arith.cmpf oeq, %eq3A_128, %eq3A_129 : vector<64x128xf32>
    %get3A_131 = arith.index_cast %add3A_116 : i32 to index
    %get3A_132 = arith.constant 0 : index
    %get3A_133 = vector.load %arg5[%get3A_131, %get3A_132] : memref<80x128xf32, #tpu.memory_space<vmem>>, vector<1x128xf32>
    %mul3A_134 = arith.mulf %get3A_133, %tanh3A_120 : vector<1x128xf32>
    %get3A_135 = arith.index_cast %add3A_116 : i32 to index
    %get3A_136 = arith.constant 0 : index
    %get3A_137 = vector.load %arg6[%get3A_135, %get3A_136] : memref<80x128xf32, #tpu.memory_space<vmem>>, vector<1x128xf32>
    %mul3A_138 = arith.mulf %get3A_137, %tanh3A_120 : vector<1x128xf32>
    %mul3A_139 = arith.mulf %mul3A_138, %tanh3A_124 : vector<1x128xf32>
    %mul3A_140 = vector.broadcast %mul3A_134 : vector<1x128xf32> to vector<64x128xf32>
    %mul3A_141 = vector.broadcast %div3A_16 : vector<64x1xf32> to vector<64x128xf32>
    %mul3A_142 = arith.mulf %mul3A_140, %mul3A_141 : vector<64x128xf32>
    %add3A_143 = vector.broadcast %div3A_7 : vector<64x1xf32> to vector<64x128xf32>
    %add3A_144 = arith.addf %add3A_143, %mul3A_142 : vector<64x128xf32>
    %mul3A_145 = vector.broadcast %mul3A_139 : vector<1x128xf32> to vector<64x128xf32>
    %mul3A_146 = vector.broadcast %div3A_25 : vector<64x1xf32> to vector<64x128xf32>
    %mul3A_147 = arith.mulf %mul3A_145, %mul3A_146 : vector<64x128xf32>
    %add3A_148 = arith.addf %add3A_144, %mul3A_147 : vector<64x128xf32>
    %jit3A_149 = arith.constant 0.000000e+00 : f32
    %broadcast_in_dim3A_150 = vector.broadcast %jit3A_149 : f32 to vector<64x128xf32>
    %select_n3A_151 = arith.select %eq3A_130, %add3A_148, %broadcast_in_dim3A_150 : vector<64x128xi1>, vector<64x128xf32>
    %get3A_152 = arith.constant 256 : index
    %get3A_153 = arith.constant 0 : index
    %get3A_154 = vector.load %arg1[%get3A_152, %get3A_153] : memref<1280x128xf32, #tpu.memory_space<vmem>>, vector<128x128xf32>
    %dot_general3A_155 = arith.constant dense<0.000000e+00> : vector<64x128xf32>
    %dot_general3A_156 = tpu.matmul %select_n3A_151, %get3A_154, %dot_general3A_155 {dimension_numbers = #tpu.dot_dimension_numbers<[1], [0], [0], [1], [0, 0, 1, 1], [], []>, transpose_lhs_hint = false} : vector<64x128xf32>, vector<128x128xf32>, vector<64x128xf32> -> vector<64x128xf32>
    %add3A_157 = arith.addf %add3A_112, %dot_general3A_156 : vector<64x128xf32>
    %mul3A_158 = arith.constant 10 : i32
    %mul3A_159 = arith.muli %arg0, %mul3A_158 : i32
    %add3A_160 = arith.constant 3 : i32
    %add3A_161 = arith.addi %mul3A_159, %add3A_160 : i32
    %get3A_162 = arith.index_cast %add3A_161 : i32 to index
    %get3A_163 = arith.constant 0 : index
    %get3A_164 = vector.load %arg3[%get3A_162, %get3A_163] : memref<80x128xf32, #tpu.memory_space<vmem>>, vector<1x128xf32>
    %tanh3A_165 = math.tanh %get3A_164 : vector<1x128xf32>
    %get3A_166 = arith.index_cast %add3A_161 : i32 to index
    %get3A_167 = arith.constant 0 : index
    %get3A_168 = vector.load %arg4[%get3A_166, %get3A_167] : memref<80x128xf32, #tpu.memory_space<vmem>>, vector<1x128xf32>
    %tanh3A_169 = math.tanh %get3A_168 : vector<1x128xf32>
    %get3A_170 = arith.index_cast %add3A_161 : i32 to index
    %get3A_171 = arith.constant 0 : index
    %get3A_172 = vector.load %arg2[%get3A_170, %get3A_171] : memref<80x128xf32, #tpu.memory_space<vmem>>, vector<1x128xf32>
    %eq3A_173 = vector.broadcast %convert_element_type3A_26 : vector<64x1xf32> to vector<64x128xf32>
    %eq3A_174 = vector.broadcast %get3A_172 : vector<1x128xf32> to vector<64x128xf32>
    %eq3A_175 = arith.cmpf oeq, %eq3A_173, %eq3A_174 : vector<64x128xf32>
    %get3A_176 = arith.index_cast %add3A_161 : i32 to index
    %get3A_177 = arith.constant 0 : index
    %get3A_178 = vector.load %arg5[%get3A_176, %get3A_177] : memref<80x128xf32, #tpu.memory_space<vmem>>, vector<1x128xf32>
    %mul3A_179 = arith.mulf %get3A_178, %tanh3A_165 : vector<1x128xf32>
    %get3A_180 = arith.index_cast %add3A_161 : i32 to index
    %get3A_181 = arith.constant 0 : index
    %get3A_182 = vector.load %arg6[%get3A_180, %get3A_181] : memref<80x128xf32, #tpu.memory_space<vmem>>, vector<1x128xf32>
    %mul3A_183 = arith.mulf %get3A_182, %tanh3A_165 : vector<1x128xf32>
    %mul3A_184 = arith.mulf %mul3A_183, %tanh3A_169 : vector<1x128xf32>
    %mul3A_185 = vector.broadcast %mul3A_179 : vector<1x128xf32> to vector<64x128xf32>
    %mul3A_186 = vector.broadcast %div3A_16 : vector<64x1xf32> to vector<64x128xf32>
    %mul3A_187 = arith.mulf %mul3A_185, %mul3A_186 : vector<64x128xf32>
    %add3A_188 = vector.broadcast %div3A_7 : vector<64x1xf32> to vector<64x128xf32>
    %add3A_189 = arith.addf %add3A_188, %mul3A_187 : vector<64x128xf32>
    %mul3A_190 = vector.broadcast %mul3A_184 : vector<1x128xf32> to vector<64x128xf32>
    %mul3A_191 = vector.broadcast %div3A_25 : vector<64x1xf32> to vector<64x128xf32>
    %mul3A_192 = arith.mulf %mul3A_190, %mul3A_191 : vector<64x128xf32>
    %add3A_193 = arith.addf %add3A_189, %mul3A_192 : vector<64x128xf32>
    %jit3A_194 = arith.constant 0.000000e+00 : f32
    %broadcast_in_dim3A_195 = vector.broadcast %jit3A_194 : f32 to vector<64x128xf32>
    %select_n3A_196 = arith.select %eq3A_175, %add3A_193, %broadcast_in_dim3A_195 : vector<64x128xi1>, vector<64x128xf32>
    %get3A_197 = arith.constant 384 : index
    %get3A_198 = arith.constant 0 : index
    %get3A_199 = vector.load %arg1[%get3A_197, %get3A_198] : memref<1280x128xf32, #tpu.memory_space<vmem>>, vector<128x128xf32>
    %dot_general3A_200 = arith.constant dense<0.000000e+00> : vector<64x128xf32>
    %dot_general3A_201 = tpu.matmul %select_n3A_196, %get3A_199, %dot_general3A_200 {dimension_numbers = #tpu.dot_dimension_numbers<[1], [0], [0], [1], [0, 0, 1, 1], [], []>, transpose_lhs_hint = false} : vector<64x128xf32>, vector<128x128xf32>, vector<64x128xf32> -> vector<64x128xf32>
    %add3A_202 = arith.addf %add3A_157, %dot_general3A_201 : vector<64x128xf32>
    %mul3A_203 = arith.constant 10 : i32
    %mul3A_204 = arith.muli %arg0, %mul3A_203 : i32
    %add3A_205 = arith.constant 4 : i32
    %add3A_206 = arith.addi %mul3A_204, %add3A_205 : i32
    %get3A_207 = arith.index_cast %add3A_206 : i32 to index
    %get3A_208 = arith.constant 0 : index
    %get3A_209 = vector.load %arg3[%get3A_207, %get3A_208] : memref<80x128xf32, #tpu.memory_space<vmem>>, vector<1x128xf32>
    %tanh3A_210 = math.tanh %get3A_209 : vector<1x128xf32>
    %get3A_211 = arith.index_cast %add3A_206 : i32 to index
    %get3A_212 = arith.constant 0 : index
    %get3A_213 = vector.load %arg4[%get3A_211, %get3A_212] : memref<80x128xf32, #tpu.memory_space<vmem>>, vector<1x128xf32>
    %tanh3A_214 = math.tanh %get3A_213 : vector<1x128xf32>
    %get3A_215 = arith.index_cast %add3A_206 : i32 to index
    %get3A_216 = arith.constant 0 : index
    %get3A_217 = vector.load %arg2[%get3A_215, %get3A_216] : memref<80x128xf32, #tpu.memory_space<vmem>>, vector<1x128xf32>
    %eq3A_218 = vector.broadcast %convert_element_type3A_26 : vector<64x1xf32> to vector<64x128xf32>
    %eq3A_219 = vector.broadcast %get3A_217 : vector<1x128xf32> to vector<64x128xf32>
    %eq3A_220 = arith.cmpf oeq, %eq3A_218, %eq3A_219 : vector<64x128xf32>
    %get3A_221 = arith.index_cast %add3A_206 : i32 to index
    %get3A_222 = arith.constant 0 : index
    %get3A_223 = vector.load %arg5[%get3A_221, %get3A_222] : memref<80x128xf32, #tpu.memory_space<vmem>>, vector<1x128xf32>
    %mul3A_224 = arith.mulf %get3A_223, %tanh3A_210 : vector<1x128xf32>
    %get3A_225 = arith.index_cast %add3A_206 : i32 to index
    %get3A_226 = arith.constant 0 : index
    %get3A_227 = vector.load %arg6[%get3A_225, %get3A_226] : memref<80x128xf32, #tpu.memory_space<vmem>>, vector<1x128xf32>
    %mul3A_228 = arith.mulf %get3A_227, %tanh3A_210 : vector<1x128xf32>
    %mul3A_229 = arith.mulf %mul3A_228, %tanh3A_214 : vector<1x128xf32>
    %mul3A_230 = vector.broadcast %mul3A_224 : vector<1x128xf32> to vector<64x128xf32>
    %mul3A_231 = vector.broadcast %div3A_16 : vector<64x1xf32> to vector<64x128xf32>
    %mul3A_232 = arith.mulf %mul3A_230, %mul3A_231 : vector<64x128xf32>
    %add3A_233 = vector.broadcast %div3A_7 : vector<64x1xf32> to vector<64x128xf32>
    %add3A_234 = arith.addf %add3A_233, %mul3A_232 : vector<64x128xf32>
    %mul3A_235 = vector.broadcast %mul3A_229 : vector<1x128xf32> to vector<64x128xf32>
    %mul3A_236 = vector.broadcast %div3A_25 : vector<64x1xf32> to vector<64x128xf32>
    %mul3A_237 = arith.mulf %mul3A_235, %mul3A_236 : vector<64x128xf32>
    %add3A_238 = arith.addf %add3A_234, %mul3A_237 : vector<64x128xf32>
    %jit3A_239 = arith.constant 0.000000e+00 : f32
    %broadcast_in_dim3A_240 = vector.broadcast %jit3A_239 : f32 to vector<64x128xf32>
    %select_n3A_241 = arith.select %eq3A_220, %add3A_238, %broadcast_in_dim3A_240 : vector<64x128xi1>, vector<64x128xf32>
    %get3A_242 = arith.constant 512 : index
    %get3A_243 = arith.constant 0 : index
    %get3A_244 = vector.load %arg1[%get3A_242, %get3A_243] : memref<1280x128xf32, #tpu.memory_space<vmem>>, vector<128x128xf32>
    %dot_general3A_245 = arith.constant dense<0.000000e+00> : vector<64x128xf32>
    %dot_general3A_246 = tpu.matmul %select_n3A_241, %get3A_244, %dot_general3A_245 {dimension_numbers = #tpu.dot_dimension_numbers<[1], [0], [0], [1], [0, 0, 1, 1], [], []>, transpose_lhs_hint = false} : vector<64x128xf32>, vector<128x128xf32>, vector<64x128xf32> -> vector<64x128xf32>
    %add3A_247 = arith.addf %add3A_202, %dot_general3A_246 : vector<64x128xf32>
    %mul3A_248 = arith.constant 10 : i32
    %mul3A_249 = arith.muli %arg0, %mul3A_248 : i32
    %add3A_250 = arith.constant 5 : i32
    %add3A_251 = arith.addi %mul3A_249, %add3A_250 : i32
    %get3A_252 = arith.index_cast %add3A_251 : i32 to index
    %get3A_253 = arith.constant 0 : index
    %get3A_254 = vector.load %arg3[%get3A_252, %get3A_253] : memref<80x128xf32, #tpu.memory_space<vmem>>, vector<1x128xf32>
    %tanh3A_255 = math.tanh %get3A_254 : vector<1x128xf32>
    %get3A_256 = arith.index_cast %add3A_251 : i32 to index
    %get3A_257 = arith.constant 0 : index
    %get3A_258 = vector.load %arg4[%get3A_256, %get3A_257] : memref<80x128xf32, #tpu.memory_space<vmem>>, vector<1x128xf32>
    %tanh3A_259 = math.tanh %get3A_258 : vector<1x128xf32>
    %get3A_260 = arith.index_cast %add3A_251 : i32 to index
    %get3A_261 = arith.constant 0 : index
    %get3A_262 = vector.load %arg2[%get3A_260, %get3A_261] : memref<80x128xf32, #tpu.memory_space<vmem>>, vector<1x128xf32>
    %eq3A_263 = vector.broadcast %convert_element_type3A_26 : vector<64x1xf32> to vector<64x128xf32>
    %eq3A_264 = vector.broadcast %get3A_262 : vector<1x128xf32> to vector<64x128xf32>
    %eq3A_265 = arith.cmpf oeq, %eq3A_263, %eq3A_264 : vector<64x128xf32>
    %get3A_266 = arith.index_cast %add3A_251 : i32 to index
    %get3A_267 = arith.constant 0 : index
    %get3A_268 = vector.load %arg5[%get3A_266, %get3A_267] : memref<80x128xf32, #tpu.memory_space<vmem>>, vector<1x128xf32>
    %mul3A_269 = arith.mulf %get3A_268, %tanh3A_255 : vector<1x128xf32>
    %get3A_270 = arith.index_cast %add3A_251 : i32 to index
    %get3A_271 = arith.constant 0 : index
    %get3A_272 = vector.load %arg6[%get3A_270, %get3A_271] : memref<80x128xf32, #tpu.memory_space<vmem>>, vector<1x128xf32>
    %mul3A_273 = arith.mulf %get3A_272, %tanh3A_255 : vector<1x128xf32>
    %mul3A_274 = arith.mulf %mul3A_273, %tanh3A_259 : vector<1x128xf32>
    %mul3A_275 = vector.broadcast %mul3A_269 : vector<1x128xf32> to vector<64x128xf32>
    %mul3A_276 = vector.broadcast %div3A_16 : vector<64x1xf32> to vector<64x128xf32>
    %mul3A_277 = arith.mulf %mul3A_275, %mul3A_276 : vector<64x128xf32>
    %add3A_278 = vector.broadcast %div3A_7 : vector<64x1xf32> to vector<64x128xf32>
    %add3A_279 = arith.addf %add3A_278, %mul3A_277 : vector<64x128xf32>
    %mul3A_280 = vector.broadcast %mul3A_274 : vector<1x128xf32> to vector<64x128xf32>
    %mul3A_281 = vector.broadcast %div3A_25 : vector<64x1xf32> to vector<64x128xf32>
    %mul3A_282 = arith.mulf %mul3A_280, %mul3A_281 : vector<64x128xf32>
    %add3A_283 = arith.addf %add3A_279, %mul3A_282 : vector<64x128xf32>
    %jit3A_284 = arith.constant 0.000000e+00 : f32
    %broadcast_in_dim3A_285 = vector.broadcast %jit3A_284 : f32 to vector<64x128xf32>
    %select_n3A_286 = arith.select %eq3A_265, %add3A_283, %broadcast_in_dim3A_285 : vector<64x128xi1>, vector<64x128xf32>
    %get3A_287 = arith.constant 640 : index
    %get3A_288 = arith.constant 0 : index
    %get3A_289 = vector.load %arg1[%get3A_287, %get3A_288] : memref<1280x128xf32, #tpu.memory_space<vmem>>, vector<128x128xf32>
    %dot_general3A_290 = arith.constant dense<0.000000e+00> : vector<64x128xf32>
    %dot_general3A_291 = tpu.matmul %select_n3A_286, %get3A_289, %dot_general3A_290 {dimension_numbers = #tpu.dot_dimension_numbers<[1], [0], [0], [1], [0, 0, 1, 1], [], []>, transpose_lhs_hint = false} : vector<64x128xf32>, vector<128x128xf32>, vector<64x128xf32> -> vector<64x128xf32>
    %add3A_292 = arith.addf %add3A_247, %dot_general3A_291 : vector<64x128xf32>
    %mul3A_293 = arith.constant 10 : i32
    %mul3A_294 = arith.muli %arg0, %mul3A_293 : i32
    %add3A_295 = arith.constant 6 : i32
    %add3A_296 = arith.addi %mul3A_294, %add3A_295 : i32
    %get3A_297 = arith.index_cast %add3A_296 : i32 to index
    %get3A_298 = arith.constant 0 : index
    %get3A_299 = vector.load %arg3[%get3A_297, %get3A_298] : memref<80x128xf32, #tpu.memory_space<vmem>>, vector<1x128xf32>
    %tanh3A_300 = math.tanh %get3A_299 : vector<1x128xf32>
    %get3A_301 = arith.index_cast %add3A_296 : i32 to index
    %get3A_302 = arith.constant 0 : index
    %get3A_303 = vector.load %arg4[%get3A_301, %get3A_302] : memref<80x128xf32, #tpu.memory_space<vmem>>, vector<1x128xf32>
    %tanh3A_304 = math.tanh %get3A_303 : vector<1x128xf32>
    %get3A_305 = arith.index_cast %add3A_296 : i32 to index
    %get3A_306 = arith.constant 0 : index
    %get3A_307 = vector.load %arg2[%get3A_305, %get3A_306] : memref<80x128xf32, #tpu.memory_space<vmem>>, vector<1x128xf32>
    %eq3A_308 = vector.broadcast %convert_element_type3A_26 : vector<64x1xf32> to vector<64x128xf32>
    %eq3A_309 = vector.broadcast %get3A_307 : vector<1x128xf32> to vector<64x128xf32>
    %eq3A_310 = arith.cmpf oeq, %eq3A_308, %eq3A_309 : vector<64x128xf32>
    %get3A_311 = arith.index_cast %add3A_296 : i32 to index
    %get3A_312 = arith.constant 0 : index
    %get3A_313 = vector.load %arg5[%get3A_311, %get3A_312] : memref<80x128xf32, #tpu.memory_space<vmem>>, vector<1x128xf32>
    %mul3A_314 = arith.mulf %get3A_313, %tanh3A_300 : vector<1x128xf32>
    %get3A_315 = arith.index_cast %add3A_296 : i32 to index
    %get3A_316 = arith.constant 0 : index
    %get3A_317 = vector.load %arg6[%get3A_315, %get3A_316] : memref<80x128xf32, #tpu.memory_space<vmem>>, vector<1x128xf32>
    %mul3A_318 = arith.mulf %get3A_317, %tanh3A_300 : vector<1x128xf32>
    %mul3A_319 = arith.mulf %mul3A_318, %tanh3A_304 : vector<1x128xf32>
    %mul3A_320 = vector.broadcast %mul3A_314 : vector<1x128xf32> to vector<64x128xf32>
    %mul3A_321 = vector.broadcast %div3A_16 : vector<64x1xf32> to vector<64x128xf32>
    %mul3A_322 = arith.mulf %mul3A_320, %mul3A_321 : vector<64x128xf32>
    %add3A_323 = vector.broadcast %div3A_7 : vector<64x1xf32> to vector<64x128xf32>
    %add3A_324 = arith.addf %add3A_323, %mul3A_322 : vector<64x128xf32>
    %mul3A_325 = vector.broadcast %mul3A_319 : vector<1x128xf32> to vector<64x128xf32>
    %mul3A_326 = vector.broadcast %div3A_25 : vector<64x1xf32> to vector<64x128xf32>
    %mul3A_327 = arith.mulf %mul3A_325, %mul3A_326 : vector<64x128xf32>
    %add3A_328 = arith.addf %add3A_324, %mul3A_327 : vector<64x128xf32>
    %jit3A_329 = arith.constant 0.000000e+00 : f32
    %broadcast_in_dim3A_330 = vector.broadcast %jit3A_329 : f32 to vector<64x128xf32>
    %select_n3A_331 = arith.select %eq3A_310, %add3A_328, %broadcast_in_dim3A_330 : vector<64x128xi1>, vector<64x128xf32>
    %get3A_332 = arith.constant 768 : index
    %get3A_333 = arith.constant 0 : index
    %get3A_334 = vector.load %arg1[%get3A_332, %get3A_333] : memref<1280x128xf32, #tpu.memory_space<vmem>>, vector<128x128xf32>
    %dot_general3A_335 = arith.constant dense<0.000000e+00> : vector<64x128xf32>
    %dot_general3A_336 = tpu.matmul %select_n3A_331, %get3A_334, %dot_general3A_335 {dimension_numbers = #tpu.dot_dimension_numbers<[1], [0], [0], [1], [0, 0, 1, 1], [], []>, transpose_lhs_hint = false} : vector<64x128xf32>, vector<128x128xf32>, vector<64x128xf32> -> vector<64x128xf32>
    %add3A_337 = arith.addf %add3A_292, %dot_general3A_336 : vector<64x128xf32>
    %mul3A_338 = arith.constant 10 : i32
    %mul3A_339 = arith.muli %arg0, %mul3A_338 : i32
    %add3A_340 = arith.constant 7 : i32
    %add3A_341 = arith.addi %mul3A_339, %add3A_340 : i32
    %get3A_342 = arith.index_cast %add3A_341 : i32 to index
    %get3A_343 = arith.constant 0 : index
    %get3A_344 = vector.load %arg3[%get3A_342, %get3A_343] : memref<80x128xf32, #tpu.memory_space<vmem>>, vector<1x128xf32>
    %tanh3A_345 = math.tanh %get3A_344 : vector<1x128xf32>
    %get3A_346 = arith.index_cast %add3A_341 : i32 to index
    %get3A_347 = arith.constant 0 : index
    %get3A_348 = vector.load %arg4[%get3A_346, %get3A_347] : memref<80x128xf32, #tpu.memory_space<vmem>>, vector<1x128xf32>
    %tanh3A_349 = math.tanh %get3A_348 : vector<1x128xf32>
    %get3A_350 = arith.index_cast %add3A_341 : i32 to index
    %get3A_351 = arith.constant 0 : index
    %get3A_352 = vector.load %arg2[%get3A_350, %get3A_351] : memref<80x128xf32, #tpu.memory_space<vmem>>, vector<1x128xf32>
    %eq3A_353 = vector.broadcast %convert_element_type3A_26 : vector<64x1xf32> to vector<64x128xf32>
    %eq3A_354 = vector.broadcast %get3A_352 : vector<1x128xf32> to vector<64x128xf32>
    %eq3A_355 = arith.cmpf oeq, %eq3A_353, %eq3A_354 : vector<64x128xf32>
    %get3A_356 = arith.index_cast %add3A_341 : i32 to index
    %get3A_357 = arith.constant 0 : index
    %get3A_358 = vector.load %arg5[%get3A_356, %get3A_357] : memref<80x128xf32, #tpu.memory_space<vmem>>, vector<1x128xf32>
    %mul3A_359 = arith.mulf %get3A_358, %tanh3A_345 : vector<1x128xf32>
    %get3A_360 = arith.index_cast %add3A_341 : i32 to index
    %get3A_361 = arith.constant 0 : index
    %get3A_362 = vector.load %arg6[%get3A_360, %get3A_361] : memref<80x128xf32, #tpu.memory_space<vmem>>, vector<1x128xf32>
    %mul3A_363 = arith.mulf %get3A_362, %tanh3A_345 : vector<1x128xf32>
    %mul3A_364 = arith.mulf %mul3A_363, %tanh3A_349 : vector<1x128xf32>
    %mul3A_365 = vector.broadcast %mul3A_359 : vector<1x128xf32> to vector<64x128xf32>
    %mul3A_366 = vector.broadcast %div3A_16 : vector<64x1xf32> to vector<64x128xf32>
    %mul3A_367 = arith.mulf %mul3A_365, %mul3A_366 : vector<64x128xf32>
    %add3A_368 = vector.broadcast %div3A_7 : vector<64x1xf32> to vector<64x128xf32>
    %add3A_369 = arith.addf %add3A_368, %mul3A_367 : vector<64x128xf32>
    %mul3A_370 = vector.broadcast %mul3A_364 : vector<1x128xf32> to vector<64x128xf32>
    %mul3A_371 = vector.broadcast %div3A_25 : vector<64x1xf32> to vector<64x128xf32>
    %mul3A_372 = arith.mulf %mul3A_370, %mul3A_371 : vector<64x128xf32>
    %add3A_373 = arith.addf %add3A_369, %mul3A_372 : vector<64x128xf32>
    %jit3A_374 = arith.constant 0.000000e+00 : f32
    %broadcast_in_dim3A_375 = vector.broadcast %jit3A_374 : f32 to vector<64x128xf32>
    %select_n3A_376 = arith.select %eq3A_355, %add3A_373, %broadcast_in_dim3A_375 : vector<64x128xi1>, vector<64x128xf32>
    %get3A_377 = arith.constant 896 : index
    %get3A_378 = arith.constant 0 : index
    %get3A_379 = vector.load %arg1[%get3A_377, %get3A_378] : memref<1280x128xf32, #tpu.memory_space<vmem>>, vector<128x128xf32>
    %dot_general3A_380 = arith.constant dense<0.000000e+00> : vector<64x128xf32>
    %dot_general3A_381 = tpu.matmul %select_n3A_376, %get3A_379, %dot_general3A_380 {dimension_numbers = #tpu.dot_dimension_numbers<[1], [0], [0], [1], [0, 0, 1, 1], [], []>, transpose_lhs_hint = false} : vector<64x128xf32>, vector<128x128xf32>, vector<64x128xf32> -> vector<64x128xf32>
    %add3A_382 = arith.addf %add3A_337, %dot_general3A_381 : vector<64x128xf32>
    %mul3A_383 = arith.constant 10 : i32
    %mul3A_384 = arith.muli %arg0, %mul3A_383 : i32
    %add3A_385 = arith.constant 8 : i32
    %add3A_386 = arith.addi %mul3A_384, %add3A_385 : i32
    %get3A_387 = arith.index_cast %add3A_386 : i32 to index
    %get3A_388 = arith.constant 0 : index
    %get3A_389 = vector.load %arg3[%get3A_387, %get3A_388] : memref<80x128xf32, #tpu.memory_space<vmem>>, vector<1x128xf32>
    %tanh3A_390 = math.tanh %get3A_389 : vector<1x128xf32>
    %get3A_391 = arith.index_cast %add3A_386 : i32 to index
    %get3A_392 = arith.constant 0 : index
    %get3A_393 = vector.load %arg4[%get3A_391, %get3A_392] : memref<80x128xf32, #tpu.memory_space<vmem>>, vector<1x128xf32>
    %tanh3A_394 = math.tanh %get3A_393 : vector<1x128xf32>
    %get3A_395 = arith.index_cast %add3A_386 : i32 to index
    %get3A_396 = arith.constant 0 : index
    %get3A_397 = vector.load %arg2[%get3A_395, %get3A_396] : memref<80x128xf32, #tpu.memory_space<vmem>>, vector<1x128xf32>
    %eq3A_398 = vector.broadcast %convert_element_type3A_26 : vector<64x1xf32> to vector<64x128xf32>
    %eq3A_399 = vector.broadcast %get3A_397 : vector<1x128xf32> to vector<64x128xf32>
    %eq3A_400 = arith.cmpf oeq, %eq3A_398, %eq3A_399 : vector<64x128xf32>
    %get3A_401 = arith.index_cast %add3A_386 : i32 to index
    %get3A_402 = arith.constant 0 : index
    %get3A_403 = vector.load %arg5[%get3A_401, %get3A_402] : memref<80x128xf32, #tpu.memory_space<vmem>>, vector<1x128xf32>
    %mul3A_404 = arith.mulf %get3A_403, %tanh3A_390 : vector<1x128xf32>
    %get3A_405 = arith.index_cast %add3A_386 : i32 to index
    %get3A_406 = arith.constant 0 : index
    %get3A_407 = vector.load %arg6[%get3A_405, %get3A_406] : memref<80x128xf32, #tpu.memory_space<vmem>>, vector<1x128xf32>
    %mul3A_408 = arith.mulf %get3A_407, %tanh3A_390 : vector<1x128xf32>
    %mul3A_409 = arith.mulf %mul3A_408, %tanh3A_394 : vector<1x128xf32>
    %mul3A_410 = vector.broadcast %mul3A_404 : vector<1x128xf32> to vector<64x128xf32>
    %mul3A_411 = vector.broadcast %div3A_16 : vector<64x1xf32> to vector<64x128xf32>
    %mul3A_412 = arith.mulf %mul3A_410, %mul3A_411 : vector<64x128xf32>
    %add3A_413 = vector.broadcast %div3A_7 : vector<64x1xf32> to vector<64x128xf32>
    %add3A_414 = arith.addf %add3A_413, %mul3A_412 : vector<64x128xf32>
    %mul3A_415 = vector.broadcast %mul3A_409 : vector<1x128xf32> to vector<64x128xf32>
    %mul3A_416 = vector.broadcast %div3A_25 : vector<64x1xf32> to vector<64x128xf32>
    %mul3A_417 = arith.mulf %mul3A_415, %mul3A_416 : vector<64x128xf32>
    %add3A_418 = arith.addf %add3A_414, %mul3A_417 : vector<64x128xf32>
    %jit3A_419 = arith.constant 0.000000e+00 : f32
    %broadcast_in_dim3A_420 = vector.broadcast %jit3A_419 : f32 to vector<64x128xf32>
    %select_n3A_421 = arith.select %eq3A_400, %add3A_418, %broadcast_in_dim3A_420 : vector<64x128xi1>, vector<64x128xf32>
    %get3A_422 = arith.constant 1024 : index
    %get3A_423 = arith.constant 0 : index
    %get3A_424 = vector.load %arg1[%get3A_422, %get3A_423] : memref<1280x128xf32, #tpu.memory_space<vmem>>, vector<128x128xf32>
    %dot_general3A_425 = arith.constant dense<0.000000e+00> : vector<64x128xf32>
    %dot_general3A_426 = tpu.matmul %select_n3A_421, %get3A_424, %dot_general3A_425 {dimension_numbers = #tpu.dot_dimension_numbers<[1], [0], [0], [1], [0, 0, 1, 1], [], []>, transpose_lhs_hint = false} : vector<64x128xf32>, vector<128x128xf32>, vector<64x128xf32> -> vector<64x128xf32>
    %add3A_427 = arith.addf %add3A_382, %dot_general3A_426 : vector<64x128xf32>
    %mul3A_428 = arith.constant 10 : i32
    %mul3A_429 = arith.muli %arg0, %mul3A_428 : i32
    %add3A_430 = arith.constant 9 : i32
    %add3A_431 = arith.addi %mul3A_429, %add3A_430 : i32
    %get3A_432 = arith.index_cast %add3A_431 : i32 to index
    %get3A_433 = arith.constant 0 : index
    %get3A_434 = vector.load %arg3[%get3A_432, %get3A_433] : memref<80x128xf32, #tpu.memory_space<vmem>>, vector<1x128xf32>
    %tanh3A_435 = math.tanh %get3A_434 : vector<1x128xf32>
    %get3A_436 = arith.index_cast %add3A_431 : i32 to index
    %get3A_437 = arith.constant 0 : index
    %get3A_438 = vector.load %arg4[%get3A_436, %get3A_437] : memref<80x128xf32, #tpu.memory_space<vmem>>, vector<1x128xf32>
    %tanh3A_439 = math.tanh %get3A_438 : vector<1x128xf32>
    %get3A_440 = arith.index_cast %add3A_431 : i32 to index
    %get3A_441 = arith.constant 0 : index
    %get3A_442 = vector.load %arg2[%get3A_440, %get3A_441] : memref<80x128xf32, #tpu.memory_space<vmem>>, vector<1x128xf32>
    %eq3A_443 = vector.broadcast %convert_element_type3A_26 : vector<64x1xf32> to vector<64x128xf32>
    %eq3A_444 = vector.broadcast %get3A_442 : vector<1x128xf32> to vector<64x128xf32>
    %eq3A_445 = arith.cmpf oeq, %eq3A_443, %eq3A_444 : vector<64x128xf32>
    %get3A_446 = arith.index_cast %add3A_431 : i32 to index
    %get3A_447 = arith.constant 0 : index
    %get3A_448 = vector.load %arg5[%get3A_446, %get3A_447] : memref<80x128xf32, #tpu.memory_space<vmem>>, vector<1x128xf32>
    %mul3A_449 = arith.mulf %get3A_448, %tanh3A_435 : vector<1x128xf32>
    %get3A_450 = arith.index_cast %add3A_431 : i32 to index
    %get3A_451 = arith.constant 0 : index
    %get3A_452 = vector.load %arg6[%get3A_450, %get3A_451] : memref<80x128xf32, #tpu.memory_space<vmem>>, vector<1x128xf32>
    %mul3A_453 = arith.mulf %get3A_452, %tanh3A_435 : vector<1x128xf32>
    %mul3A_454 = arith.mulf %mul3A_453, %tanh3A_439 : vector<1x128xf32>
    %mul3A_455 = vector.broadcast %mul3A_449 : vector<1x128xf32> to vector<64x128xf32>
    %mul3A_456 = vector.broadcast %div3A_16 : vector<64x1xf32> to vector<64x128xf32>
    %mul3A_457 = arith.mulf %mul3A_455, %mul3A_456 : vector<64x128xf32>
    %add3A_458 = vector.broadcast %div3A_7 : vector<64x1xf32> to vector<64x128xf32>
    %add3A_459 = arith.addf %add3A_458, %mul3A_457 : vector<64x128xf32>
    %mul3A_460 = vector.broadcast %mul3A_454 : vector<1x128xf32> to vector<64x128xf32>
    %mul3A_461 = vector.broadcast %div3A_25 : vector<64x1xf32> to vector<64x128xf32>
    %mul3A_462 = arith.mulf %mul3A_460, %mul3A_461 : vector<64x128xf32>
    %add3A_463 = arith.addf %add3A_459, %mul3A_462 : vector<64x128xf32>
    %jit3A_464 = arith.constant 0.000000e+00 : f32
    %broadcast_in_dim3A_465 = vector.broadcast %jit3A_464 : f32 to vector<64x128xf32>
    %select_n3A_466 = arith.select %eq3A_445, %add3A_463, %broadcast_in_dim3A_465 : vector<64x128xi1>, vector<64x128xf32>
    %get3A_467 = arith.constant 1152 : index
    %get3A_468 = arith.constant 0 : index
    %get3A_469 = vector.load %arg1[%get3A_467, %get3A_468] : memref<1280x128xf32, #tpu.memory_space<vmem>>, vector<128x128xf32>
    %dot_general3A_470 = arith.constant dense<0.000000e+00> : vector<64x128xf32>
    %dot_general3A_471 = tpu.matmul %select_n3A_466, %get3A_469, %dot_general3A_470 {dimension_numbers = #tpu.dot_dimension_numbers<[1], [0], [0], [1], [0, 0, 1, 1], [], []>, transpose_lhs_hint = false} : vector<64x128xf32>, vector<128x128xf32>, vector<64x128xf32> -> vector<64x128xf32>
    %add3A_472 = arith.addf %add3A_427, %dot_general3A_471 : vector<64x128xf32>
    %swap3A = arith.constant 0 : index
    %swap3A_473 = arith.constant 0 : index
    %swap3A_474 = vector.load %arg11[%swap3A, %swap3A_473] : memref<64x128xf32, #tpu.memory_space<vmem>>, vector<64x128xf32>
    tpu.vector_store %arg11[%swap3A, %swap3A_473], %add3A_472 {strides = array<i32>} : memref<64x128xf32, #tpu.memory_space<vmem>>, vector<64x128xf32>,
    %eq3A_475 = arith.constant 7 : i32
    %eq3A_476 = arith.cmpi eq, %arg0, %eq3A_475 : i32
    %convert_element_type3A_477 = arith.extui %eq3A_476 : i1 to i32
    %cond3A_478 = arith.constant 0 : i32
    %cond3A_479 = arith.cmpi ne, %convert_element_type3A_477, %cond3A_478 : i32
    scf.if %cond3A_479 {
      %get3A_480 = arith.constant 0 : index
      %get3A_481 = arith.constant 0 : index
      %get3A_482 = vector.load %arg11[%get3A_480, %get3A_481] : memref<64x128xf32, #tpu.memory_space<vmem>>, vector<64x128xf32>
      %swap3A_483 = arith.constant 0 : index
      %swap3A_484 = arith.constant 0 : index
      %swap3A_485 = vector.load %arg10[%swap3A_483, %swap3A_484] : memref<64x128xf32, #tpu.memory_space<vmem>>, vector<64x128xf32>
      tpu.vector_store %arg10[%swap3A_483, %swap3A_484], %get3A_482 {strides = array<i32>} : memref<64x128xf32, #tpu.memory_space<vmem>>, vector<64x128xf32>,
    } else {
    }
    return
  }
  func.func @transform_0(%arg0: i32) -> (i32, i32) {
    %c0_i32 = arith.constant 0 : i32
    %c0_i32_0 = arith.constant 0 : i32
    return %arg0, %c0_i32 : i32, i32
  }
  func.func @transform_1(%arg0: i32) -> (i32, i32) {
    %c0_i32 = arith.constant 0 : i32
    %c0_i32_0 = arith.constant 0 : i32
    %c0_i32_1 = arith.constant 0 : i32
    return %c0_i32, %c0_i32_0 : i32, i32
  }
  func.func @transform_2(%arg0: i32) -> (i32, i32) {
    %c0_i32 = arith.constant 0 : i32
    %c0_i32_0 = arith.constant 0 : i32
    %c0_i32_1 = arith.constant 0 : i32
    return %c0_i32, %c0_i32_0 : i32, i32
  }
  func.func @transform_3(%arg0: i32) -> (i32, i32) {
    %c0_i32 = arith.constant 0 : i32
    %c0_i32_0 = arith.constant 0 : i32
    %c0_i32_1 = arith.constant 0 : i32
    return %c0_i32, %c0_i32_0 : i32, i32
  }
  func.func @transform_4(%arg0: i32) -> (i32, i32) {
    %c0_i32 = arith.constant 0 : i32
    %c0_i32_0 = arith.constant 0 : i32
    %c0_i32_1 = arith.constant 0 : i32
    return %c0_i32, %c0_i32_0 : i32, i32
  }
  func.func @transform_5(%arg0: i32) -> (i32, i32) {
    %c0_i32 = arith.constant 0 : i32
    %c0_i32_0 = arith.constant 0 : i32
    %c0_i32_1 = arith.constant 0 : i32
    return %c0_i32, %c0_i32_0 : i32, i32
  }
  func.func @transform_6(%arg0: i32) -> (i32, i32) {
    %c0_i32 = arith.constant 0 : i32
    %c0_i32_0 = arith.constant 0 : i32
    %c0_i32_1 = arith.constant 0 : i32
    return %c0_i32, %c0_i32_0 : i32, i32
  }
  func.func @transform_7(%arg0: i32) -> (i32, i32) {
    %c0_i32 = arith.constant 0 : i32
    %c0_i32_0 = arith.constant 0 : i32
    %c0_i32_1 = arith.constant 0 : i32
    return %c0_i32, %c0_i32_0 : i32, i32
  }
  func.func @transform_8(%arg0: i32) -> (i32, i32) {
    %c0_i32 = arith.constant 0 : i32
    %c0_i32_0 = arith.constant 0 : i32
    %c0_i32_1 = arith.constant 0 : i32
    return %c0_i32, %c0_i32_0 : i32, i32
  }
  func.func @transform_9(%arg0: i32) -> (i32, i32) {
    %c0_i32 = arith.constant 0 : i32
    %c0_i32_0 = arith.constant 0 : i32
    %c0_i32_1 = arith.constant 0 : i32
    return %c0_i32, %c0_i32_0 : i32, i32
  }
}

</mosaic_0001>

<sc_bundles>
// kernel: kernel.12.cloned.1.call-start
scs
__scs_entry_jumppad:
0x0: {  	(pc) =	sbr.rel $0x88, $3  }
0x1: {  	(tag) =	ssettag $0x0;
	lr =	simm.s32 $0x1  }
0x2: {  	[smem:$0x3F95] =	sst lr;
	_ =	strace $0xD0000000  }
0x3: {  	_ = 	snop  }
0x4: {  	_ = 	snop  }
0x5: {  	_ = 	snop  }
0x6: {  	_ = 	snop  }
0x7: {  	_ = 	snop  }
__scs_overlays_trampoline_lowered:
0x8: {  	[smem:$0x3FA4] =	sst s0  }
0x9: {  	[smem:$0x3FA5] =	sst s1  }
0xa: {  	[smem:$0x3FA6] =	sst s2  }
0xb: {  	[smem:$0x3FA7] =	sst s3  }
0xc: {  	[smem:$0x3FA8] =	sst s4  }
0xd: {  	[smem:$0x3FA9] =	sst s5  }
0xe: {  	[smem:$0x3FAA] =	sst s6  }
0xf: {  	[smem:$0x3FAB] =	sst s7  }
0x10: {  	[smem:$0x3FAC] =	sst s8  }
0x11: {  	[smem:$0x3FAD] =	sst s9;
	s0 =	simm.s32 @!p0 $0x0  }
0x12: {  	s1 =	sld [smem:$0x3F93];
	s0 =	simm.s32 @p0 $0x1  }
0x13: {  	[smem:$0x3FAE] =	sst s0;
	s0 =	simm.s32 @!p1 $0x0  }
0x14: {  	s2 =	sld [smem:$0x3F92];
	s0 =	simm.s32 @p1 $0x1  }
0x15: {  	[smem:$0x3FAF] =	sst s0;
	s0 =	simm.s32 @!p2 $0x0  }
0x16: {  	s3 =	sld [smem:$0x3FDB];
	s0 =	simm.s32 @p2 $0x1  }
0x17: {  	s4 =	simm.s32 $0x1BF5;
	[smem:$0x3FB1] =	sst s0  }
0x18: {  	s0 =	sld [smem:$0x3F94];
	_ =	swait.ge [sflag:s4], $0x0  }
0x19: {  	s7 =	sld [smem:$0x3F95]  }
0x1a: {  	s8 =	sadd.s32 $0xFFFFE003, lr  }
0x1b: {  	s9 =	sadd.s32 $0xFFFFFEF7, lr;
	s5 =	simm.s32 $0xFFFFFFFF;
	p2 =	slt.u32 s8, $0xFFFFF086  }
0x1c: {  	p1 =	slt.u32 s9, $0xF7A;
	s5 =	simm.s32 @!p2 $0x0  }
0x1d: {  	s5 =	simm.s32 @p1 $0x1;
	p0 =	seq.s32 s7, s2  }
0x1e: {  	s7 =	smul.u32 @!p0 $0xF7A, s2;
	p2 =	seq.s32 @!p0 s5, $0x0  }
0x1f: {  	s9 =	smul.u32 $0xF7A, s1;
	s8 =	simm.s32 @!p0 $0x1BF5;
	p2 =	por !p2, p0  }
0x20: {  	[sflag:s8] =	ssyncset.s32 @!p0 $0xFFFFF086;
	s6 =	sadd.s32 @!p0 s3, s7;
	s7 =	simm.s32 @!p0 $0x108  }
0x21: {  	s3 =	sadd.s32 s3, s9;
	s6 =	sadd.s32 @!p0 $0x88, s6;
	s7 =	simm.s32 @p2 $0x1082  }
0x22: {  	[simem:s7], [sflag:s8] =	dma.local @!p0 [hbm:s6], $0xF7A  }
0x23: {  	s9 =	sor.u32 $0xD0000000, s2;
	s6 =	simm.s32 $0x108;
	_ =	swait.ge @!p0 [sflag:s8], $0x0  }
0x24: {  	s3 =	sadd.s32 $0x88, s3;
	s6 =	simm.s32 @!p1 $0x1082;
	[sflag:s4] =	ssyncset.s32 $0xFFFFF086  }
0x25: {  	[simem:s6], [sflag:s4] =	dma.local [hbm:s3], $0xF7A  }
0x26: {  	[smem:$0x3F95] =	sst s1;
	(tag) =	ssettag s2;
	_ =	strace s9  }
0x27: {  	s1 =	sld [smem:$0x3FA5]  }
0x28: {  	s2 =	sld [smem:$0x3FA6]  }
0x29: {  	s4 =	sld [smem:$0x3FA8]  }
0x2a: {  	p0 =	seq.s32 s5, $0x0;
	s5 =	sld [smem:$0x3FA9]  }
0x2b: {  	s6 =	sld [smem:$0x3FAA]  }
0x2c: {  	s7 =	sld [smem:$0x3FAB]  }
0x2d: {  	s3 =	simm.s32 $0x108;
	s8 =	sld [smem:$0x3FAC]  }
0x2e: {  	s3 =	simm.s32 @!p0 $0x1082;
	s9 =	sld [smem:$0x3FAD]  }
0x2f: {  	lr =	sadd.s32 s0, s3;
	s0 =	sld [smem:$0x3FA4]  }
0x30: {  	s3 =	sld [smem:$0x3FA7]  }
0x31: {  	[smem:$0x3FB0] =	sst s10  }
0x32: {  	s10 =	sld [smem:$0x3FAE];
	_ =	sdelay $0x3  }
0x33: {  	p0 =	seq.s32 s10, $0x1;
	s10 =	sld [smem:$0x3FB0];
	_ =	sdelay $0x3  }
0x34: {  	[smem:$0x3FB0] =	sst s10  }
0x35: {  	s10 =	sld [smem:$0x3FAF];
	_ =	sdelay $0x3  }
0x36: {  	p1 =	seq.s32 s10, $0x1;
	s10 =	sld [smem:$0x3FB0];
	_ =	sdelay $0x3  }
0x37: {  	[smem:$0x3FB0] =	sst s10  }
0x38: {  	s10 =	sld [smem:$0x3FB1]  }
0x39: {  	_ = 	snop;
	(pc) =	sbr.ind lr, $3  }
0x3a: {  	_ = 	snop  }
0x3b: {  	_ = 	snop  }
0x3c: {  	p2 =	seq.s32 s10, $0x1;
	s10 =	sld [smem:$0x3FB0]  }
0x3d: {  	_ =	shalt  }
0x3e: {  	_ =	shalt  }
0x3f: {  	_ =	shalt  }
0x40: {  	_ =	shalt  }
0x41: {  	_ =	shalt  }
0x42: {  	_ =	shalt  }
0x43: {  	_ =	shalt  }
0x44: {  	_ =	shalt  }
0x45: {  	_ =	shalt  }
0x46: {  	_ =	shalt  }
0x47: {  	_ =	shalt  }
0x48: {  	_ =	shalt  }
0x49: {  	_ =	shalt  }
0x4a: {  	_ =	shalt  }
0x4b: {  	_ =	shalt  }
0x4c: {  	_ =	shalt  }
0x4d: {  	_ =	shalt  }
0x4e: {  	_ =	shalt  }
0x4f: {  	_ =	shalt  }
0x50: {  	_ =	shalt  }
0x51: {  	_ =	shalt  }
0x52: {  	_ =	shalt  }
0x53: {  	_ =	shalt  }
0x54: {  	_ =	shalt  }
0x55: {  	_ =	shalt  }
0x56: {  	_ =	shalt  }
0x57: {  	_ =	shalt  }
0x58: {  	_ =	shalt  }
0x59: {  	_ =	shalt  }
0x5a: {  	_ =	shalt  }
0x5b: {  	_ =	shalt  }
0x5c: {  	_ =	shalt  }
0x5d: {  	_ =	shalt  }
0x5e: {  	_ =	shalt  }
0x5f: {  	_ =	shalt  }
0x60: {  	_ =	shalt  }
0x61: {  	_ =	shalt  }
0x62: {  	_ =	shalt  }
0x63: {  	_ =	shalt  }
0x64: {  	_ =	shalt  }
0x65: {  	_ =	shalt  }
0x66: {  	_ =	shalt  }
0x67: {  	_ =	shalt  }
0x68: {  	_ =	shalt  }
0x69: {  	_ =	shalt  }
0x6a: {  	_ =	shalt  }
0x6b: {  	_ =	shalt  }
0x6c: {  	_ =	shalt  }
0x6d: {  	_ =	shalt  }
0x6e: {  	_ =	shalt  }
0x6f: {  	_ =	shalt  }
0x70: {  	_ =	shalt  }
0x71: {  	_ =	shalt  }
0x72: {  	_ =	shalt  }
0x73: {  	_ =	shalt  }
0x74: {  	_ =	shalt  }
0x75: {  	_ =	shalt  }
0x76: {  	_ =	shalt  }
0x77: {  	_ =	shalt  }
0x78: {  	_ =	shalt  }
0x79: {  	_ =	shalt  }
0x7a: {  	_ =	shalt  }
0x7b: {  	_ =	shalt  }
0x7c: {  	_ =	shalt  }
0x7d: {  	_ =	shalt  }
0x7e: {  	_ =	shalt  }
0x7f: {  	_ =	shalt  }
0x80: {  	_ =	shalt  }
0x81: {  	_ =	shalt  }
0x82: {  	_ =	shalt  }
0x83: {  	_ =	shalt  }
0x84: {  	_ =	shalt  }
0x85: {  	_ =	shalt  }
0x86: {  	_ =	shalt  }
0x87: {  	_ =	shalt  }
.Lfunc_end0:
.L_simem_size_0:
called_computation.1_lowered:
.L_overlay_start_0:
0x88: {  	s2 =	sld [smem:$0x3FD9]  }
0x89: {  	s3 =	sld [smem:$0x3FFE];
	_ =	sdelay $0x1  }
0x8a: {  	s1 =	srdreg.scid  }
0x8b: {  	s0 =	sand.u32 $0x1, s1  }
0x8c: {  	s16 =	sshll.u32 s0, $0xA;
	s2 =	sadd.s32 s3, s2  }
0x8d: {  	s2 =	sadd.s32 s2, s16  }
0x8e: {  	[smem:$0x3FBC] =	sst s2  }
0x8f: {  	_ = 	snop  }
0x90: {  	(tm) =	ssettm $0x1  }
0x91: {  	s17 =	sld [smem:$0x3FFB];
	_ =	sdelay $0x3  }
0x92: {  	_ =	strace s17  }
0x93: {  	s2 =	sld [smem:$0x3FFC];
	_ =	sdelay $0x3  }
0x94: {  	_ =	strace s2  }
0x95: {  	s2 =	sld [smem:$0x3FFD];
	_ =	sdelay $0x3  }
0x96: {  	_ =	strace s2  }
0x97: {  	_ =	strace $0x8FFFFFFF  }
0x98: {  	s18 =	sld [smem:$0x3FDB];
	_ =	sdelay $0x1  }
0x99: {  	s19 =	simm.s32 $_scs_section_size  }
0x9a: {  	s4 =	simm.s32 $_size__tile_overlayer_lowered;
	s5 =	simm.s32 $_tile_overlayer_lowered  }
0x9b: {  	s22 =	simm.s32 $0x1BFF;
	s21 =	sshll.u32 s5, $0x1;
	s2 =	sadd.s32 s19, s18  }
0x9c: {  	s6 =	simm.s32 $0x0;
	s20 =	sshll.u32 s4, $0x1;
	s4 =	sadd.s32 s21, s2  }
0x9d: {  	[timem:s6], [sflag:s22] =	dma.local [hbm:s4], s20  }
0x9e: {  	_ =	swait.ge [sflag:s22], s20  }
0x9f: {  	s3 =	ssub.s32 $0x0, s20;
	[sflag:s22] =	ssyncset.done $0x0  }
0xa0: {  	[sflag:s22] =	ssyncadd.s32 s3;
	_ =	sdelay $0x1  }
0xa1: {  	s23 =	simm.s32 $0x1B8B  }
0xa2: {  	_ =	swait.ge [sflag:s23], $0x1  }
0xa3: {  	[sflag:s23] =	ssyncset.done $0x0  }
0xa4: {  	s25 =	simm.s32 $0x1B8E;
	s24 =	sld [smem:$0x3FFE];
	[sflag:s23] =	ssyncadd.s32 $0xFFFFFFFF  }
0xa5: {  	s26 =	simm.s32 $execute0_lowered;
	[smem:$0x3FD2] =	sst s25  }
0xa6: {  	s4 =	sshll.u32 s26, $0x1;
	_ =	strace $0x80000049;
	[dreg:$0x1] =	wrdreg $0xFFFFFFFF  }
0xa7: {  	s28 =	simm.s32 $_size_execute0_lowered;
	s2 =	sadd.s32 s2, s4;
	[dreg:$0x0] =	wrdreg $0x0  }
0xa8: {  	s4 =	sshll.u32 s28, $0x1;
	[dreg:$0x2] =	wrdreg s2  }
0xa9: {  	[dreg:$0x3] =	wrdreg s4  }
0xaa: {  	[dreg:$0x4] =	wrdreg $0xC0  }
0xab: {  	_ =	task [dreg:s6], $0x5FFFF  }
0xac: {  	[dreg:$0x1] =	wrdreg $0xFFFFFFFF  }
0xad: {  	[dreg:$0x0] =	wrdreg $0x60  }
0xae: {  	[dreg:$0x2] =	wrdreg s24  }
0xaf: {  	[dreg:$0x3] =	wrdreg $0x9  }
0xb0: {  	_ =	task.clear_ibuf [dreg:s6], $0x4FFFF;
	_ =	strace $0x90000049  }
0xb1: {  	s29 =	simm.s32 $0x9;
	_ =	strace $0x8000004B  }
0xb2: {  	_ =	swait.ge [sflag:s29], $0x1  }
0xb3: {  	[sflag:s29] =	ssyncadd.s32 $0xFFFFFFFF  }
0xb4: {  	_ =	strace $0x9000004B  }
0xb5: {  	_ =	sfence  }
0xb6: {  	s30 =	sld [smem:$0x0];
	_ =	sdelay $0x2  }
0xb7: {  	s31 =	sshll.u32 s1, $0xD;
	s1 =	sshrl.u32 s1, $0x2  }
0xb8: {  	s3 =	sand.u32 $0x4000, s31;
	s1 =	sadd.s32 s1, s30  }
0xb9: {  	s0 =	sor.u32 s3, s0;
	s1 =	sshll.u32 s1, $0x11  }
0xba: {  	s0 =	sor.u32 s1, s0  }
0xbb: {  	s0 =	sadd.s32 $0x8F2B, s0  }
0xbc: {  	[sflag:s0] =	ssyncadd.remote.s32 $0x1  }
0xbd: {  	_ =	sfence.sel $0xFFFF  }
0xbe: {  	[dreg:$0x0] =	wrdreg $0xFFFFFFFF;
	(pc) =	sbr.abs _section_cstart, $3  }
0xbf: {  	[dreg:$0x1] =	wrdreg $0xFFFFFFFF  }
0xc0: {  	_ =	task.clear_ibuf [dreg:s6], $0x2FFFF;
	_ =	strace $0x9FFFFFFF  }
0xc1: {  	(tm) =	ssettm $0x7FFFFFFF  }
tec
execute0_lowered:
.L_overlay_start_1:
0x0: {  	(tag) =	ssettag $0x1  }
0x1: {  	s1 =	srdreg.scid  }
0x2: {  	s0 =	stileid.u32;
	s5 =	rddreg [dreg:$0x0];
	s2 =	simm.s32 $0x0  }
0x3: {  	s10 =	simm.s32 $0x1;
	s11 =	simm.s32 $0x4F00;
	s12 =	simm.s32 $0x7680  }
0x4: {  	s13 =	simm.s32 $0x9E80;
	s14 =	simm.s32 $0xC680;
	s15 =	simm.s32 $0xEE80  }
0x5: {  	s16 =	simm.s32 $0x80;
	s17 =	simm.s32 $0x400;
	s18 =	simm.s32 $0x0  }
0x6: {  	s4 =	sand.u32 $0x1, s1;
	s30 =	sshll.u32 s0, $0x1;
	s8 =	sshrl.u32 s0, $0x2  }
0x7: {  	[smem:$0x7FF] =	sst s2;
	s3 =	sor.u32 s4, s30;
	s8 =	smul.u32 $0x14000, s8  }
0x8: {  	s1 =	rddreg [dreg:$0x1];
	_ =	strace $0x8000004A;
	s6 =	smul.u32 $0x9E0, s3  }
0x9: {  	s9 =	ssub.s32 $0x2, s4;
	s7 =	smul.u32 $0x4F0, s3;
	s3 =	sshll.u32 s3, $0x7  }
0xa: {  	s4 =	sadd.s32 $0x3A00, s5;
	s31 =	sshrl.u32 s9, $0x1;
	s3 =	sand.u32 $0x380, s3  }
0xb: {  	s9 =	ssub.s32 s9, s31;
	s6 =	sadd.s32 s6, s5;
	s8 =	sor.u32 s8, s3  }
0xc: {  	s7 =	sadd.s32 s7, s5;
	s3 =	sadd.s32 $0x3400, s5;
	s8 =	sshrl.u32 s8, $0x3  }
0xd: {  	s9 =	smax.u32 s9, $0x1;
	s8 =	sadd.s32 s8, s5;
	s5 =	sadd.s32 $0xD200, s6  }
0xe: {  	v0 =	vimm.f32 $0.0e+00;
	s6 =	sadd.s32 $0x35A00, s7;
	s7 =	sadd.s32 $0x20E00, s8;
	s8 =	sadd.s32 $0x2AE00, s8  }
.LBB2_1:
0xf: {  	[tilespmem:s2], [sflag:$0x1] =	stream.linear.gather [hbm4b:s5+s2], $0x4F00, $0x38;
	[tilespmem:$0x11680] =	vst v63  }
0x10: {  	_ =	swait.ge [sflag:s10], $0x4F00  }
0x11: {  	[sflag:s10] =	ssyncset.done $0x0  }
0x12: {  	[sflag:s10] =	ssyncadd.s32 $0xFFFFB100  }
0x13: {  	[tilespmem:s11], [sflag:$0x1] =	stream.linear.gather [hbm4b:s6+s2], $0x2780, $0x38;
	[tilespmem:$0x11680] =	vst v63  }
0x14: {  	_ =	swait.ge [sflag:s10], $0x2780  }
0x15: {  	[sflag:s10] =	ssyncset.done $0x0  }
0x16: {  	[sflag:s10] =	ssyncadd.s32 $0xFFFFD880  }
0x17: {  	[tilespmem:s12], [sflag:$0x1] =	stream.linear.gather [hbm4b:s3+s2], $0x2800, $0x38;
	[tilespmem:$0x11680] =	vst v63  }
0x18: {  	_ =	swait.ge [sflag:s10], $0x2800  }
0x19: {  	[sflag:s10] =	ssyncset.done $0x0  }
0x1a: {  	[sflag:s10] =	ssyncadd.s32 $0xFFFFD800  }
0x1b: {  	[tilespmem:s13], [sflag:$0x1] =	stream.linear.gather [hbm4b:s4+s2], $0x2800, $0x38;
	[tilespmem:$0x11680] =	vst v63  }
0x1c: {  	_ =	swait.ge [sflag:s10], $0x2800  }
0x1d: {  	[sflag:s10] =	ssyncset.done $0x0  }
0x1e: {  	s19 =	simm.s32 $0xC6A0;
	[sflag:s10] =	ssyncadd.s32 $0xFFFFD800  }
0x1f: {  	s22 =	simm.s32 $0xEEA0;
	[tilespmem:s19+$0xFFFFFFE0] =	vst v0  }
0x20: {  	[tilespmem:s22+$0xFFFFFFE0] =	vst v0  }
0x21: {  	[tilespmem:s19+$0xFFFFFFF0] =	vst v0  }
0x22: {  	[tilespmem:s22+$0xFFFFFFF0] =	vst v0  }
0x23: {  	[tilespmem:s19+$0x0] =	vst v0  }
0x24: {  	[tilespmem:s22+$0x0] =	vst v0  }
0x25: {  	[tilespmem:s19+$0x10] =	vst v0  }
0x26: {  	s23 =	simm.s32 $0x0;
	s24 =	simm.s32 $0xC6E0;
	s19 =	simm.s32 $0xFFFFFFFC;
	[tilespmem:s22+$0x10] =	vst v0  }
.LBB2_2:
0x27: {  	[tilespmem:s24+$0xFFFFFFE0] =	vst v0;
	s22 =	sadd.s32 $0x40, s22  }
0x28: {  	s23 =	sadd.s32 $0x4, s23;
	[tilespmem:s22+$0xFFFFFFE0] =	vst v0  }
0x29: {  	p0 =	slt.u32 s23, $0x27C;
	[tilespmem:s24+$0xFFFFFFF0] =	vst v0  }
.Ltmp0:
0x2a: {  	[tilespmem:s22+$0xFFFFFFF0] =	vst v0;
	(pc) =	sbr.rel @p0 .LBB2_2-.Ltmp0, $4  }
0x2b: {  	[tilespmem:s24+$0x0] =	vst v0  }
0x2c: {  	[tilespmem:s22+$0x0] =	vst v0  }
0x2d: {  	s20 =	simm.s32 $0x4F00;
	[tilespmem:s24+$0x10] =	vst v0  }
0x2e: {  	s21 =	simm.s32 $0x0;
	s24 =	sadd.s32 $0x40, s24;
	[tilespmem:s22+$0x10] =	vst v0  }
0x2f: {  	s22 =	simm.s32 $0x0  }
.LBB2_4:
0x30: {  	s23 =	sand.u32 $0x40, s21;
	s24 =	sand.u32 $0x7F00, s22  }
0x31: {  	s25 =	sor.u32 s23, s24  }
0x32: {  	v1 =	vld [tilespmem:s25+$0x0];
	_ =	sdelay $0x5  }
0x33: {  	v3 =	vld [tilespmem:s20+$0x0]  }
0x34: {  	v2 =	vld [tilespmem:s25+$0x80]  }
0x35: {  	v4 =	vld.idx.msk [tilespmem:v1+s12+$0x0], $0xffff;
	_ =	sdelay $0x2  }
0x36: {  	v1 =	vld.idx.msk [tilespmem:v1+s13+$0x0], $0xffff;
	_ =	sdelay $0x1  }
0x37: {  	v3 =	vmul.f32 v4, v3;
	_ =	sdelay $0x1  }
0x38: {  	s29 =	sor.u32 $0x10, s23;
	[tilespmem:v2+s14+$0x0] =	vst.idx.add.f32.msk $0xffff, v3  }
0x39: {  	s26 =	sor.u32 s29, s24;
	[tilespmem:v2+s15+$0x0] =	vst.idx.add.f32.msk $0xffff, v1  }
0x3a: {  	v1 =	vld [tilespmem:s26+$0x0];
	_ =	sdelay $0x3  }
0x3b: {  	s28 =	sand.u32 $0x3F80, s21  }
0x3c: {  	s28 =	sadd.s32 $0x4F00, s28  }
0x3d: {  	s25 =	sor.u32 s29, s28;
	v2 =	vld [tilespmem:s26+$0x80]  }
0x3e: {  	v3 =	vld [tilespmem:s25+$0x0]  }
0x3f: {  	v61 =	vld.idx.msk [tilespmem:v1+s12+$0x0], $0xffff;
	_ =	sdelay $0x2  }
0x40: {  	v1 =	vld.idx.msk [tilespmem:v1+s13+$0x0], $0xffff;
	_ =	sdelay $0x1  }
0x41: {  	v3 =	vmul.f32 v61, v3;
	_ =	sdelay $0x1  }
0x42: {  	s30 =	sor.u32 $0x20, s23;
	[tilespmem:v2+s14+$0x0] =	vst.idx.add.f32.msk $0xffff, v3  }
0x43: {  	s31 =	sor.u32 s30, s24;
	[tilespmem:v2+s15+$0x0] =	vst.idx.add.f32.msk $0xffff, v1  }
0x44: {  	v1 =	vld [tilespmem:s31+$0x0];
	_ =	sdelay $0x5  }
0x45: {  	s25 =	sor.u32 s30, s28;
	v2 =	vld [tilespmem:s31+$0x80]  }
0x46: {  	v3 =	vld [tilespmem:s25+$0x0]  }
0x47: {  	v62 =	vld.idx.msk [tilespmem:v1+s12+$0x0], $0xffff;
	_ =	sdelay $0x2  }
0x48: {  	v1 =	vld.idx.msk [tilespmem:v1+s13+$0x0], $0xffff;
	_ =	sdelay $0x1  }
0x49: {  	v3 =	vmul.f32 v62, v3;
	_ =	sdelay $0x1  }
0x4a: {  	s23 =	sor.u32 $0x30, s23;
	[tilespmem:v2+s14+$0x0] =	vst.idx.add.f32.msk $0xffff, v3  }
0x4b: {  	s24 =	sor.u32 s23, s24;
	[tilespmem:v2+s15+$0x0] =	vst.idx.add.f32.msk $0xffff, v1  }
0x4c: {  	v1 =	vld [tilespmem:s24+$0x0];
	_ =	sdelay $0x5  }
0x4d: {  	s23 =	sor.u32 s23, s28;
	v2 =	vld [tilespmem:s24+$0x80]  }
0x4e: {  	v3 =	vld [tilespmem:s23+$0x0]  }
0x4f: {  	v63 =	vld.idx.msk [tilespmem:v1+s12+$0x0], $0xffff;
	_ =	sdelay $0x1  }
0x50: {  	s19 =	sadd.s32 $0x4, s19  }
0x51: {  	p0 =	slt.u32 s19, $0x274;
	v1 =	vld.idx.msk [tilespmem:v1+s13+$0x0], $0xffff  }
.Ltmp1:
0x52: {  	_ = 	snop;
	(pc) =	sbr.rel @p0 .LBB2_4-.Ltmp1, $3  }
0x53: {  	v3 =	vmul.f32 v63, v3;
	_ =	sdelay $0x1  }
0x54: {  	[tilespmem:v2+s14+$0x0] =	vst.idx.add.f32.msk $0xffff, v3  }
0x55: {  	s22 =	sadd.s32 $0x80, s22;
	s21 =	sadd.s32 $0x40, s21;
	s20 =	sadd.s32 $0x40, s20;
	[tilespmem:v2+s15+$0x0] =	vst.idx.add.f32.msk $0xffff, v1  }
0x56: {  	[hbm4b:s7+s16] =	stream.strided.scatter [tilespmem:s14], [sflag:$0x1], $0x2800, s17, s16, $0x38;
	[tilespmem:$0x11680] =	vst v63  }
0x57: {  	s18 =	sadd.s32 $0x1, s18;
	_ =	swait.ge [sflag:s10], $0x2800  }
0x58: {  	p0 =	sne.s32 s18, s9;
	[sflag:s10] =	ssyncset.done $0x0  }
.Ltmp2:
0x59: {  	[sflag:s10] =	ssyncadd.s32 $0xFFFFD800;
	(pc) =	sbr.rel @p0 .LBB2_1-.Ltmp2, $4  }
0x5a: {  	[hbm4b:s8+s16] =	stream.strided.scatter [tilespmem:s15], [sflag:$0x1], $0x2800, s17, s16, $0x38;
	[tilespmem:$0x11680] =	vst v63  }
0x5b: {  	_ =	swait.ge [sflag:s10], $0x2800  }
0x5c: {  	[sflag:s10] =	ssyncset.done $0x0  }
0x5d: {  	[sflag:s10] =	ssyncadd.s32 $0xFFFFD800  }
0x5e: {  	_ =	sfence.sel $0x180000  }
0x5f: {  	[bflag:$0x0] =	sbarrier.arrive $0xFFFF  }
0x60: {  	p0 =	sne.s32 s0, $0x0;
	_ =	strace $0x9000004A  }
0x61: {  	s0 =	sadd.s32 @!p0 $0x100000, s1;
	[bflag:$0x2] =	sbarrier.arrive $0xFFFF  }
0x62: {  	[sflag:s0] =	ssyncadd.tile.s32 @!p0 $0x1;
	_ =	shalt  }
.Lfunc_end2:
_tile_overlayer_lowered:
.L_overlay_start_2:
0x63: {  	(tag) =	ssettag $0x2  }
0x64: {  	s0 =	rddreg [dreg:$0x0];
	s2 =	stileid.u32  }
0x65: {  	s1 =	rddreg [dreg:$0x1];
	p0 =	sne.s32 s2, $0x0  }
0x66: {  	s3 =	rddreg [dreg:$0x2];
	[bflag:$0x3] =	sbarrier.arrive $0xFFFF;
	s2 =	simm.s32 @!p0 $0x1C01  }
0x67: {  	[timem:s3], [sflag:s2] =	dma.local @!p0 [hbm:s0], s1  }
0x68: {  	s0 =	simm.s32 @!p0 $0x1  }
0x69: {  	_ =	swait.ge @!p0 [sflag:s0], s1  }
0x6a: {  	s1 =	ssub.s32 @!p0 $0x0, s1;
	[sflag:s0] =	ssyncset.done @!p0 $0x0  }
0x6b: {  	[sflag:s0] =	ssyncadd.s32 @!p0 s1  }
0x6c: {  	[bflag:$0x3] =	sbarrier.arrive $0xFFFF  }
0x6d: {  	_ =	shalt  }

// kernel: kernel.9.cloned.1.call-start
scs
__scs_entry_jumppad:
0x0: {  	(pc) =	sbr.rel $0x88, $3  }
0x1: {  	(tag) =	ssettag $0x0;
	lr =	simm.s32 $0x1  }
0x2: {  	[smem:$0x3F95] =	sst lr;
	_ =	strace $0xD0000000  }
0x3: {  	_ = 	snop  }
0x4: {  	_ = 	snop  }
0x5: {  	_ = 	snop  }
0x6: {  	_ = 	snop  }
0x7: {  	_ = 	snop  }
__scs_overlays_trampoline_lowered:
0x8: {  	[smem:$0x3FA4] =	sst s0  }
0x9: {  	[smem:$0x3FA5] =	sst s1  }
0xa: {  	[smem:$0x3FA6] =	sst s2  }
0xb: {  	[smem:$0x3FA7] =	sst s3  }
0xc: {  	[smem:$0x3FA8] =	sst s4  }
0xd: {  	[smem:$0x3FA9] =	sst s5  }
0xe: {  	[smem:$0x3FAA] =	sst s6  }
0xf: {  	[smem:$0x3FAB] =	sst s7  }
0x10: {  	[smem:$0x3FAC] =	sst s8  }
0x11: {  	[smem:$0x3FAD] =	sst s9;
	s0 =	simm.s32 @!p0 $0x0  }
0x12: {  	s1 =	sld [smem:$0x3F93];
	s0 =	simm.s32 @p0 $0x1  }
0x13: {  	[smem:$0x3FAE] =	sst s0;
	s0 =	simm.s32 @!p1 $0x0  }
0x14: {  	s2 =	sld [smem:$0x3F92];
	s0 =	simm.s32 @p1 $0x1  }
0x15: {  	[smem:$0x3FAF] =	sst s0;
	s0 =	simm.s32 @!p2 $0x0  }
0x16: {  	s3 =	sld [smem:$0x3FDB];
	s0 =	simm.s32 @p2 $0x1  }
0x17: {  	s4 =	simm.s32 $0x1BF5;
	[smem:$0x3FB1] =	sst s0  }
0x18: {  	s0 =	sld [smem:$0x3F94];
	_ =	swait.ge [sflag:s4], $0x0  }
0x19: {  	s7 =	sld [smem:$0x3F95]  }
0x1a: {  	s8 =	sadd.s32 $0xFFFFE003, lr  }
0x1b: {  	s9 =	sadd.s32 $0xFFFFFEF7, lr;
	s5 =	simm.s32 $0xFFFFFFFF;
	p2 =	slt.u32 s8, $0xFFFFF086  }
0x1c: {  	p1 =	slt.u32 s9, $0xF7A;
	s5 =	simm.s32 @!p2 $0x0  }
0x1d: {  	s5 =	simm.s32 @p1 $0x1;
	p0 =	seq.s32 s7, s2  }
0x1e: {  	s7 =	smul.u32 @!p0 $0xF7A, s2;
	p2 =	seq.s32 @!p0 s5, $0x0  }
0x1f: {  	s9 =	smul.u32 $0xF7A, s1;
	s8 =	simm.s32 @!p0 $0x1BF5;
	p2 =	por !p2, p0  }
0x20: {  	[sflag:s8] =	ssyncset.s32 @!p0 $0xFFFFF086;
	s6 =	sadd.s32 @!p0 s3, s7;
	s7 =	simm.s32 @!p0 $0x108  }
0x21: {  	s3 =	sadd.s32 s3, s9;
	s6 =	sadd.s32 @!p0 $0x88, s6;
	s7 =	simm.s32 @p2 $0x1082  }
0x22: {  	[simem:s7], [sflag:s8] =	dma.local @!p0 [hbm:s6], $0xF7A  }
0x23: {  	s9 =	sor.u32 $0xD0000000, s2;
	s6 =	simm.s32 $0x108;
	_ =	swait.ge @!p0 [sflag:s8], $0x0  }
0x24: {  	s3 =	sadd.s32 $0x88, s3;
	s6 =	simm.s32 @!p1 $0x1082;
	[sflag:s4] =	ssyncset.s32 $0xFFFFF086  }
0x25: {  	[simem:s6], [sflag:s4] =	dma.local [hbm:s3], $0xF7A  }
0x26: {  	[smem:$0x3F95] =	sst s1;
	(tag) =	ssettag s2;
	_ =	strace s9  }
0x27: {  	s1 =	sld [smem:$0x3FA5]  }
0x28: {  	s2 =	sld [smem:$0x3FA6]  }
0x29: {  	s4 =	sld [smem:$0x3FA8]  }
0x2a: {  	p0 =	seq.s32 s5, $0x0;
	s5 =	sld [smem:$0x3FA9]  }
0x2b: {  	s6 =	sld [smem:$0x3FAA]  }
0x2c: {  	s7 =	sld [smem:$0x3FAB]  }
0x2d: {  	s3 =	simm.s32 $0x108;
	s8 =	sld [smem:$0x3FAC]  }
0x2e: {  	s3 =	simm.s32 @!p0 $0x1082;
	s9 =	sld [smem:$0x3FAD]  }
0x2f: {  	lr =	sadd.s32 s0, s3;
	s0 =	sld [smem:$0x3FA4]  }
0x30: {  	s3 =	sld [smem:$0x3FA7]  }
0x31: {  	[smem:$0x3FB0] =	sst s10  }
0x32: {  	s10 =	sld [smem:$0x3FAE];
	_ =	sdelay $0x3  }
0x33: {  	p0 =	seq.s32 s10, $0x1;
	s10 =	sld [smem:$0x3FB0];
	_ =	sdelay $0x3  }
0x34: {  	[smem:$0x3FB0] =	sst s10  }
0x35: {  	s10 =	sld [smem:$0x3FAF];
	_ =	sdelay $0x3  }
0x36: {  	p1 =	seq.s32 s10, $0x1;
	s10 =	sld [smem:$0x3FB0];
	_ =	sdelay $0x3  }
0x37: {  	[smem:$0x3FB0] =	sst s10  }
0x38: {  	s10 =	sld [smem:$0x3FB1]  }
0x39: {  	_ = 	snop;
	(pc) =	sbr.ind lr, $3  }
0x3a: {  	_ = 	snop  }
0x3b: {  	_ = 	snop  }
0x3c: {  	p2 =	seq.s32 s10, $0x1;
	s10 =	sld [smem:$0x3FB0]  }
0x3d: {  	_ =	shalt  }
0x3e: {  	_ =	shalt  }
0x3f: {  	_ =	shalt  }
0x40: {  	_ =	shalt  }
0x41: {  	_ =	shalt  }
0x42: {  	_ =	shalt  }
0x43: {  	_ =	shalt  }
0x44: {  	_ =	shalt  }
0x45: {  	_ =	shalt  }
0x46: {  	_ =	shalt  }
0x47: {  	_ =	shalt  }
0x48: {  	_ =	shalt  }
0x49: {  	_ =	shalt  }
0x4a: {  	_ =	shalt  }
0x4b: {  	_ =	shalt  }
0x4c: {  	_ =	shalt  }
0x4d: {  	_ =	shalt  }
0x4e: {  	_ =	shalt  }
0x4f: {  	_ =	shalt  }
0x50: {  	_ =	shalt  }
0x51: {  	_ =	shalt  }
0x52: {  	_ =	shalt  }
0x53: {  	_ =	shalt  }
0x54: {  	_ =	shalt  }
0x55: {  	_ =	shalt  }
0x56: {  	_ =	shalt  }
0x57: {  	_ =	shalt  }
0x58: {  	_ =	shalt  }
0x59: {  	_ =	shalt  }
0x5a: {  	_ =	shalt  }
0x5b: {  	_ =	shalt  }
0x5c: {  	_ =	shalt  }
0x5d: {  	_ =	shalt  }
0x5e: {  	_ =	shalt  }
0x5f: {  	_ =	shalt  }
0x60: {  	_ =	shalt  }
0x61: {  	_ =	shalt  }
0x62: {  	_ =	shalt  }
0x63: {  	_ =	shalt  }
0x64: {  	_ =	shalt  }
0x65: {  	_ =	shalt  }
0x66: {  	_ =	shalt  }
0x67: {  	_ =	shalt  }
0x68: {  	_ =	shalt  }
0x69: {  	_ =	shalt  }
0x6a: {  	_ =	shalt  }
0x6b: {  	_ =	shalt  }
0x6c: {  	_ =	shalt  }
0x6d: {  	_ =	shalt  }
0x6e: {  	_ =	shalt  }
0x6f: {  	_ =	shalt  }
0x70: {  	_ =	shalt  }
0x71: {  	_ =	shalt  }
0x72: {  	_ =	shalt  }
0x73: {  	_ =	shalt  }
0x74: {  	_ =	shalt  }
0x75: {  	_ =	shalt  }
0x76: {  	_ =	shalt  }
0x77: {  	_ =	shalt  }
0x78: {  	_ =	shalt  }
0x79: {  	_ =	shalt  }
0x7a: {  	_ =	shalt  }
0x7b: {  	_ =	shalt  }
0x7c: {  	_ =	shalt  }
0x7d: {  	_ =	shalt  }
0x7e: {  	_ =	shalt  }
0x7f: {  	_ =	shalt  }
0x80: {  	_ =	shalt  }
0x81: {  	_ =	shalt  }
0x82: {  	_ =	shalt  }
0x83: {  	_ =	shalt  }
0x84: {  	_ =	shalt  }
0x85: {  	_ =	shalt  }
0x86: {  	_ =	shalt  }
0x87: {  	_ =	shalt  }
.Lfunc_end0:
.L_simem_size_0:
called_computation_lowered:
.L_overlay_start_0:
0x88: {  	s2 =	sld [smem:$0x3FD9]  }
0x89: {  	s3 =	sld [smem:$0x3FFE];
	_ =	sdelay $0x1  }
0x8a: {  	s1 =	srdreg.scid  }
0x8b: {  	s0 =	sand.u32 $0x1, s1  }
0x8c: {  	s16 =	sshll.u32 s0, $0xA;
	s2 =	sadd.s32 s3, s2  }
0x8d: {  	s2 =	sadd.s32 s2, s16  }
0x8e: {  	[smem:$0x3FBC] =	sst s2  }
0x8f: {  	_ = 	snop  }
0x90: {  	(tm) =	ssettm $0x1  }
0x91: {  	s17 =	sld [smem:$0x3FFB];
	_ =	sdelay $0x3  }
0x92: {  	_ =	strace s17  }
0x93: {  	s2 =	sld [smem:$0x3FFC];
	_ =	sdelay $0x3  }
0x94: {  	_ =	strace s2  }
0x95: {  	s2 =	sld [smem:$0x3FFD];
	_ =	sdelay $0x3  }
0x96: {  	_ =	strace s2  }
0x97: {  	_ =	strace $0x8FFFFFFF  }
0x98: {  	s18 =	sld [smem:$0x3FDB];
	_ =	sdelay $0x1  }
0x99: {  	s19 =	simm.s32 $_scs_section_size  }
0x9a: {  	s4 =	simm.s32 $_size__tile_overlayer_lowered;
	s5 =	simm.s32 $_tile_overlayer_lowered  }
0x9b: {  	s22 =	simm.s32 $0x1BFF;
	s21 =	sshll.u32 s5, $0x1;
	s2 =	sadd.s32 s19, s18  }
0x9c: {  	s6 =	simm.s32 $0x0;
	s20 =	sshll.u32 s4, $0x1;
	s4 =	sadd.s32 s21, s2  }
0x9d: {  	[timem:s6], [sflag:s22] =	dma.local [hbm:s4], s20  }
0x9e: {  	_ =	swait.ge [sflag:s22], s20  }
0x9f: {  	s3 =	ssub.s32 $0x0, s20;
	[sflag:s22] =	ssyncset.done $0x0  }
0xa0: {  	[sflag:s22] =	ssyncadd.s32 s3;
	_ =	sdelay $0x1  }
0xa1: {  	s23 =	simm.s32 $0x1B8B  }
0xa2: {  	_ =	swait.ge [sflag:s23], $0x1  }
0xa3: {  	[sflag:s23] =	ssyncset.done $0x0  }
0xa4: {  	s25 =	simm.s32 $0x1B8E;
	s24 =	sld [smem:$0x3FFE];
	[sflag:s23] =	ssyncadd.s32 $0xFFFFFFFF  }
0xa5: {  	s26 =	simm.s32 $execute0_lowered;
	[smem:$0x3FD2] =	sst s25  }
0xa6: {  	s4 =	sshll.u32 s26, $0x1;
	_ =	strace $0x80000046;
	[dreg:$0x1] =	wrdreg $0xFFFFFFFF  }
0xa7: {  	s28 =	simm.s32 $_size_execute0_lowered;
	s2 =	sadd.s32 s2, s4;
	[dreg:$0x0] =	wrdreg $0x0  }
0xa8: {  	s4 =	sshll.u32 s28, $0x1;
	[dreg:$0x2] =	wrdreg s2  }
0xa9: {  	[dreg:$0x3] =	wrdreg s4  }
0xaa: {  	[dreg:$0x4] =	wrdreg $0xC0  }
0xab: {  	_ =	task [dreg:s6], $0x5FFFF  }
0xac: {  	[dreg:$0x1] =	wrdreg $0xFFFFFFFF  }
0xad: {  	[dreg:$0x0] =	wrdreg $0x60  }
0xae: {  	[dreg:$0x2] =	wrdreg s24  }
0xaf: {  	[dreg:$0x3] =	wrdreg $0x9  }
0xb0: {  	_ =	task.clear_ibuf [dreg:s6], $0x4FFFF;
	_ =	strace $0x90000046  }
0xb1: {  	s29 =	simm.s32 $0x9;
	_ =	strace $0x80000048  }
0xb2: {  	_ =	swait.ge [sflag:s29], $0x1  }
0xb3: {  	[sflag:s29] =	ssyncadd.s32 $0xFFFFFFFF  }
0xb4: {  	_ =	strace $0x90000048  }
0xb5: {  	_ =	sfence  }
0xb6: {  	s30 =	sld [smem:$0x0];
	_ =	sdelay $0x2  }
0xb7: {  	s31 =	sshll.u32 s1, $0xD;
	s1 =	sshrl.u32 s1, $0x2  }
0xb8: {  	s3 =	sand.u32 $0x4000, s31;
	s1 =	sadd.s32 s1, s30  }
0xb9: {  	s0 =	sor.u32 s3, s0;
	s1 =	sshll.u32 s1, $0x11  }
0xba: {  	s0 =	sor.u32 s1, s0  }
0xbb: {  	s0 =	sadd.s32 $0x8F2B, s0  }
0xbc: {  	[sflag:s0] =	ssyncadd.remote.s32 $0x1  }
0xbd: {  	_ =	sfence.sel $0xFFFF  }
0xbe: {  	[dreg:$0x0] =	wrdreg $0xFFFFFFFF;
	(pc) =	sbr.abs _section_cstart, $3  }
0xbf: {  	[dreg:$0x1] =	wrdreg $0xFFFFFFFF  }
0xc0: {  	_ =	task.clear_ibuf [dreg:s6], $0x2FFFF;
	_ =	strace $0x9FFFFFFF  }
0xc1: {  	(tm) =	ssettm $0x7FFFFFFF  }
tec
execute0_lowered:
.L_overlay_start_1:
0x0: {  	(tag) =	ssettag $0x1  }
0x1: {  	s1 =	srdreg.scid  }
0x2: {  	s0 =	stileid.u32;
	s5 =	rddreg [dreg:$0x0];
	s2 =	simm.s32 $0x0  }
0x3: {  	s10 =	simm.s32 $0x1;
	s11 =	simm.s32 $0x4F00;
	s12 =	simm.s32 $0x7680  }
0x4: {  	s13 =	simm.s32 $0x9E80;
	s14 =	simm.s32 $0xC680;
	s15 =	simm.s32 $0xEE80  }
0x5: {  	s16 =	simm.s32 $0x80;
	s17 =	simm.s32 $0x400;
	s18 =	simm.s32 $0x0  }
0x6: {  	s4 =	sand.u32 $0x1, s1;
	s30 =	sshll.u32 s0, $0x1;
	s8 =	sshrl.u32 s0, $0x2  }
0x7: {  	[smem:$0x7FF] =	sst s2;
	s3 =	sor.u32 s4, s30;
	s8 =	smul.u32 $0x14000, s8  }
0x8: {  	s1 =	rddreg [dreg:$0x1];
	_ =	strace $0x80000047;
	s6 =	smul.u32 $0x9E0, s3  }
0x9: {  	s9 =	ssub.s32 $0x2, s4;
	s7 =	smul.u32 $0x4F0, s3;
	s3 =	sshll.u32 s3, $0x7  }
0xa: {  	s4 =	sadd.s32 $0x21400, s5;
	s31 =	sshrl.u32 s9, $0x1;
	s3 =	sand.u32 $0x380, s3  }
0xb: {  	s9 =	ssub.s32 s9, s31;
	s6 =	sadd.s32 s6, s5;
	s8 =	sor.u32 s8, s3  }
0xc: {  	s7 =	sadd.s32 s7, s5;
	s3 =	sadd.s32 $0x20E00, s5;
	s8 =	sshrl.u32 s8, $0x3  }
0xd: {  	s9 =	smax.u32 s9, $0x1;
	s8 =	sadd.s32 s8, s5;
	s5 =	sadd.s32 $0xD200, s6  }
0xe: {  	v0 =	vimm.f32 $0.0e+00;
	s6 =	sadd.s32 $0x3400, s7;
	s7 =	sadd.s32 $0x21A00, s8;
	s8 =	sadd.s32 $0x2BA00, s8  }
.LBB2_1:
0xf: {  	[tilespmem:s2], [sflag:$0x1] =	stream.linear.gather [hbm4b:s5+s2], $0x4F00, $0x38;
	[tilespmem:$0x11680] =	vst v63  }
0x10: {  	_ =	swait.ge [sflag:s10], $0x4F00  }
0x11: {  	[sflag:s10] =	ssyncset.done $0x0  }
0x12: {  	[sflag:s10] =	ssyncadd.s32 $0xFFFFB100  }
0x13: {  	[tilespmem:s11], [sflag:$0x1] =	stream.linear.gather [hbm4b:s6+s2], $0x2780, $0x38;
	[tilespmem:$0x11680] =	vst v63  }
0x14: {  	_ =	swait.ge [sflag:s10], $0x2780  }
0x15: {  	[sflag:s10] =	ssyncset.done $0x0  }
0x16: {  	[sflag:s10] =	ssyncadd.s32 $0xFFFFD880  }
0x17: {  	[tilespmem:s12], [sflag:$0x1] =	stream.linear.gather [hbm4b:s3+s2], $0x2800, $0x38;
	[tilespmem:$0x11680] =	vst v63  }
0x18: {  	_ =	swait.ge [sflag:s10], $0x2800  }
0x19: {  	[sflag:s10] =	ssyncset.done $0x0  }
0x1a: {  	[sflag:s10] =	ssyncadd.s32 $0xFFFFD800  }
0x1b: {  	[tilespmem:s13], [sflag:$0x1] =	stream.linear.gather [hbm4b:s4+s2], $0x2800, $0x38;
	[tilespmem:$0x11680] =	vst v63  }
0x1c: {  	_ =	swait.ge [sflag:s10], $0x2800  }
0x1d: {  	[sflag:s10] =	ssyncset.done $0x0  }
0x1e: {  	s19 =	simm.s32 $0xC6A0;
	[sflag:s10] =	ssyncadd.s32 $0xFFFFD800  }
0x1f: {  	s22 =	simm.s32 $0xEEA0;
	[tilespmem:s19+$0xFFFFFFE0] =	vst v0  }
0x20: {  	[tilespmem:s22+$0xFFFFFFE0] =	vst v0  }
0x21: {  	[tilespmem:s19+$0xFFFFFFF0] =	vst v0  }
0x22: {  	[tilespmem:s22+$0xFFFFFFF0] =	vst v0  }
0x23: {  	[tilespmem:s19+$0x0] =	vst v0  }
0x24: {  	[tilespmem:s22+$0x0] =	vst v0  }
0x25: {  	[tilespmem:s19+$0x10] =	vst v0  }
0x26: {  	s23 =	simm.s32 $0x0;
	s24 =	simm.s32 $0xC6E0;
	s19 =	simm.s32 $0xFFFFFFFC;
	[tilespmem:s22+$0x10] =	vst v0  }
.LBB2_2:
0x27: {  	[tilespmem:s24+$0xFFFFFFE0] =	vst v0;
	s22 =	sadd.s32 $0x40, s22  }
0x28: {  	s23 =	sadd.s32 $0x4, s23;
	[tilespmem:s22+$0xFFFFFFE0] =	vst v0  }
0x29: {  	p0 =	slt.u32 s23, $0x27C;
	[tilespmem:s24+$0xFFFFFFF0] =	vst v0  }
.Ltmp0:
0x2a: {  	[tilespmem:s22+$0xFFFFFFF0] =	vst v0;
	(pc) =	sbr.rel @p0 .LBB2_2-.Ltmp0, $4  }
0x2b: {  	[tilespmem:s24+$0x0] =	vst v0  }
0x2c: {  	[tilespmem:s22+$0x0] =	vst v0  }
0x2d: {  	s20 =	simm.s32 $0x4F00;
	[tilespmem:s24+$0x10] =	vst v0  }
0x2e: {  	s21 =	simm.s32 $0x0;
	s24 =	sadd.s32 $0x40, s24;
	[tilespmem:s22+$0x10] =	vst v0  }
0x2f: {  	s22 =	simm.s32 $0x0  }
.LBB2_4:
0x30: {  	s23 =	sand.u32 $0x40, s21;
	s24 =	sand.u32 $0x7F00, s22  }
0x31: {  	s25 =	sor.u32 s23, s24  }
0x32: {  	v1 =	vld [tilespmem:s25+$0x0];
	_ =	sdelay $0x5  }
0x33: {  	v3 =	vld [tilespmem:s20+$0x0]  }
0x34: {  	v2 =	vld [tilespmem:s25+$0x80]  }
0x35: {  	v4 =	vld.idx.msk [tilespmem:v1+s12+$0x0], $0xffff;
	_ =	sdelay $0x2  }
0x36: {  	v1 =	vld.idx.msk [tilespmem:v1+s13+$0x0], $0xffff;
	_ =	sdelay $0x1  }
0x37: {  	v3 =	vmul.f32 v4, v3;
	_ =	sdelay $0x1  }
0x38: {  	s29 =	sor.u32 $0x10, s23;
	[tilespmem:v2+s14+$0x0] =	vst.idx.add.f32.msk $0xffff, v3  }
0x39: {  	s26 =	sor.u32 s29, s24;
	[tilespmem:v2+s15+$0x0] =	vst.idx.add.f32.msk $0xffff, v1  }
0x3a: {  	v1 =	vld [tilespmem:s26+$0x0];
	_ =	sdelay $0x3  }
0x3b: {  	s28 =	sand.u32 $0x3F80, s21  }
0x3c: {  	s28 =	sadd.s32 $0x4F00, s28  }
0x3d: {  	s25 =	sor.u32 s29, s28;
	v2 =	vld [tilespmem:s26+$0x80]  }
0x3e: {  	v3 =	vld [tilespmem:s25+$0x0]  }
0x3f: {  	v61 =	vld.idx.msk [tilespmem:v1+s12+$0x0], $0xffff;
	_ =	sdelay $0x2  }
0x40: {  	v1 =	vld.idx.msk [tilespmem:v1+s13+$0x0], $0xffff;
	_ =	sdelay $0x1  }
0x41: {  	v3 =	vmul.f32 v61, v3;
	_ =	sdelay $0x1  }
0x42: {  	s30 =	sor.u32 $0x20, s23;
	[tilespmem:v2+s14+$0x0] =	vst.idx.add.f32.msk $0xffff, v3  }
0x43: {  	s31 =	sor.u32 s30, s24;
	[tilespmem:v2+s15+$0x0] =	vst.idx.add.f32.msk $0xffff, v1  }
0x44: {  	v1 =	vld [tilespmem:s31+$0x0];
	_ =	sdelay $0x5  }
0x45: {  	s25 =	sor.u32 s30, s28;
	v2 =	vld [tilespmem:s31+$0x80]  }
0x46: {  	v3 =	vld [tilespmem:s25+$0x0]  }
0x47: {  	v62 =	vld.idx.msk [tilespmem:v1+s12+$0x0], $0xffff;
	_ =	sdelay $0x2  }
0x48: {  	v1 =	vld.idx.msk [tilespmem:v1+s13+$0x0], $0xffff;
	_ =	sdelay $0x1  }
0x49: {  	v3 =	vmul.f32 v62, v3;
	_ =	sdelay $0x1  }
0x4a: {  	s23 =	sor.u32 $0x30, s23;
	[tilespmem:v2+s14+$0x0] =	vst.idx.add.f32.msk $0xffff, v3  }
0x4b: {  	s24 =	sor.u32 s23, s24;
	[tilespmem:v2+s15+$0x0] =	vst.idx.add.f32.msk $0xffff, v1  }
0x4c: {  	v1 =	vld [tilespmem:s24+$0x0];
	_ =	sdelay $0x5  }
0x4d: {  	s23 =	sor.u32 s23, s28;
	v2 =	vld [tilespmem:s24+$0x80]  }
0x4e: {  	v3 =	vld [tilespmem:s23+$0x0]  }
0x4f: {  	v63 =	vld.idx.msk [tilespmem:v1+s12+$0x0], $0xffff;
	_ =	sdelay $0x1  }
0x50: {  	s19 =	sadd.s32 $0x4, s19  }
0x51: {  	p0 =	slt.u32 s19, $0x274;
	v1 =	vld.idx.msk [tilespmem:v1+s13+$0x0], $0xffff  }
.Ltmp1:
0x52: {  	_ = 	snop;
	(pc) =	sbr.rel @p0 .LBB2_4-.Ltmp1, $3  }
0x53: {  	v3 =	vmul.f32 v63, v3;
	_ =	sdelay $0x1  }
0x54: {  	[tilespmem:v2+s14+$0x0] =	vst.idx.add.f32.msk $0xffff, v3  }
0x55: {  	s22 =	sadd.s32 $0x80, s22;
	s21 =	sadd.s32 $0x40, s21;
	s20 =	sadd.s32 $0x40, s20;
	[tilespmem:v2+s15+$0x0] =	vst.idx.add.f32.msk $0xffff, v1  }
0x56: {  	[hbm4b:s7+s16] =	stream.strided.scatter [tilespmem:s14], [sflag:$0x1], $0x2800, s17, s16, $0x38;
	[tilespmem:$0x11680] =	vst v63  }
0x57: {  	s18 =	sadd.s32 $0x1, s18;
	_ =	swait.ge [sflag:s10], $0x2800  }
0x58: {  	p0 =	sne.s32 s18, s9;
	[sflag:s10] =	ssyncset.done $0x0  }
.Ltmp2:
0x59: {  	[sflag:s10] =	ssyncadd.s32 $0xFFFFD800;
	(pc) =	sbr.rel @p0 .LBB2_1-.Ltmp2, $4  }
0x5a: {  	[hbm4b:s8+s16] =	stream.strided.scatter [tilespmem:s15], [sflag:$0x1], $0x2800, s17, s16, $0x38;
	[tilespmem:$0x11680] =	vst v63  }
0x5b: {  	_ =	swait.ge [sflag:s10], $0x2800  }
0x5c: {  	[sflag:s10] =	ssyncset.done $0x0  }
0x5d: {  	[sflag:s10] =	ssyncadd.s32 $0xFFFFD800  }
0x5e: {  	_ =	sfence.sel $0x180000  }
0x5f: {  	[bflag:$0x0] =	sbarrier.arrive $0xFFFF  }
0x60: {  	p0 =	sne.s32 s0, $0x0;
	_ =	strace $0x90000047  }
0x61: {  	s0 =	sadd.s32 @!p0 $0x100000, s1;
	[bflag:$0x2] =	sbarrier.arrive $0xFFFF  }
0x62: {  	[sflag:s0] =	ssyncadd.tile.s32 @!p0 $0x1;
	_ =	shalt  }
.Lfunc_end2:
_tile_overlayer_lowered:
.L_overlay_start_2:
0x63: {  	(tag) =	ssettag $0x2  }
0x64: {  	s0 =	rddreg [dreg:$0x0];
	s2 =	stileid.u32  }
0x65: {  	s1 =	rddreg [dreg:$0x1];
	p0 =	sne.s32 s2, $0x0  }
0x66: {  	s3 =	rddreg [dreg:$0x2];
	[bflag:$0x3] =	sbarrier.arrive $0xFFFF;
	s2 =	simm.s32 @!p0 $0x1C01  }
0x67: {  	[timem:s3], [sflag:s2] =	dma.local @!p0 [hbm:s0], s1  }
0x68: {  	s0 =	simm.s32 @!p0 $0x1  }
0x69: {  	_ =	swait.ge @!p0 [sflag:s0], s1  }
0x6a: {  	s1 =	ssub.s32 @!p0 $0x0, s1;
	[sflag:s0] =	ssyncset.done @!p0 $0x0  }
0x6b: {  	[sflag:s0] =	ssyncadd.s32 @!p0 s1  }
0x6c: {  	[bflag:$0x3] =	sbarrier.arrive $0xFFFF  }
0x6d: {  	_ =	shalt  }

</sc_bundles>
